<compile_context>
chip_gen: v7x
topology: tpu7x:2x2x1
jax: 0.10.2.dev20260603
libtpu: 0.0.44.dev20260713+nightly
codegen_flags: <defaults>
</compile_context>

<pallas_src>
import functools

import jax
import jax.numpy as jnp
from jax import lax
from jax.experimental import pallas as pl
from jax.experimental.pallas import tpu as pltpu
from jax.experimental.pallas import tpu_sc as plsc

D_MODEL = 2048
N_EXPERTS = 16
N_GROUPS = 4
GROUP_SIZE = 4
K = 2
N_TOK = 4 * 4096
NW = 32
N_CHUNK = 1
TOK_C = N_TOK // N_CHUNK
TPW = TOK_C // NW
LANES = 16
W_ROWS = 24
NEG = float(jnp.finfo(jnp.float32).min)


MM_BLK = 1024


def _mm_body(x_ref, w_ref, o_ref):
    out = lax.dot_general(
        w_ref[...], x_ref[...],
        dimension_numbers=(((1,), (1,)), ((), ())),
        preferred_element_type=jnp.float32,
    )
    for k in range(MM_BLK // TPW):
        o_ref[k] = out[:, k * TPW:(k + 1) * TPW]


def _logits_tc(x2d, w_cat):
    return pl.pallas_call(
        _mm_body,
        grid=(TOK_C // MM_BLK,),
        in_specs=[
            pl.BlockSpec((MM_BLK, D_MODEL), lambda i: (i, 0)),
            pl.BlockSpec((W_ROWS, D_MODEL), lambda i: (0, 0)),
        ],
        out_specs=pl.BlockSpec((MM_BLK // TPW, W_ROWS, TPW),
                               lambda i: (i, 0, 0)),
        out_shape=jax.ShapeDtypeStruct((NW, W_ROWS, TPW), jnp.float32),
    )(x2d, w_cat)


def _sc_route(lg_hbm, out_hbm, imp_hbm, cnt_hbm, lg_v, out_v, imp_a, cnt_a):
    wid = lax.axis_index("s") * 2 + lax.axis_index("c")
    pltpu.sync_copy(lg_hbm.at[wid], lg_v)

    zf = jnp.zeros((LANES,), jnp.float32)
    for j in range(N_EXPERTS):
        imp_a[j] = zf
        cnt_a[j] = zf

    def body(t, carry):
        off = t * LANES
        e = [lg_v[j, pl.ds(off, LANES)] for j in range(N_EXPERTS)]
        g = [lg_v[N_EXPERTS + j, pl.ds(off, LANES)] for j in range(N_GROUPS)]

        gmax = jnp.maximum(jnp.maximum(g[0], g[1]), jnp.maximum(g[2], g[3]))
        in_g = [g[j] == gmax for j in range(N_GROUPS)]
        gidx = jnp.full((LANES,), N_GROUPS - 1, jnp.int32)
        for j in range(N_GROUPS - 2, -1, -1):
            gidx = jnp.where(in_g[j], j, gidx)
        sel_g = [gidx == j for j in range(N_GROUPS)]

        a = [jnp.where(sel_g[0], e[s],
                       jnp.where(sel_g[1], e[GROUP_SIZE + s],
                                 jnp.where(sel_g[2], e[2 * GROUP_SIZE + s],
                                           e[3 * GROUP_SIZE + s])))
             for s in range(GROUP_SIZE)]

        m = jnp.maximum(jnp.maximum(a[0], a[1]), jnp.maximum(a[2], a[3]))
        ex = [jnp.exp(a[s] - m) for s in range(GROUP_SIZE)]
        inv = 1.0 / (ex[0] + ex[1] + ex[2] + ex[3])
        px = [ex[s] * inv for s in range(GROUP_SIZE)]

        top1 = [a[s] == m for s in range(GROUP_SIZE)]
        s1 = jnp.full((LANES,), GROUP_SIZE - 1, jnp.int32)
        for s in range(GROUP_SIZE - 2, -1, -1):
            s1 = jnp.where(top1[s], s, s1)
        m2 = jnp.full((LANES,), NEG, jnp.float32)
        ex1 = [s1 == s for s in range(GROUP_SIZE)]
        for s in range(GROUP_SIZE):
            m2 = jnp.maximum(m2, jnp.where(ex1[s], NEG, a[s]))
        top2 = [(a[s] == m2) & (s1 != s) for s in range(GROUP_SIZE)]
        s2 = jnp.zeros((LANES,), jnp.int32)
        for s in range(GROUP_SIZE - 1, -1, -1):
            s2 = jnp.where(top2[s], s, s2)
        base = gidx * GROUP_SIZE
        i1 = base + s1
        i2 = base + s2

        d = jnp.exp(m2 - m)
        w1 = 1.0 / (1.0 + d)
        w2 = d * w1

        one = jnp.ones((LANES,), jnp.float32)
        zero = jnp.zeros((LANES,), jnp.float32)
        c1 = [jnp.where(s1 == s, one, zero) + jnp.where(s2 == s, one, zero)
          for s in range(GROUP_SIZE)]
        for j in range(N_EXPERTS):
            gsel = sel_g[j // GROUP_SIZE]
            p = jnp.where(gsel, px[j % GROUP_SIZE], zero)
            out_v[j, pl.ds(off, LANES)] = p
            plsc.addupdate(imp_a.at[j], p)
            plsc.addupdate(cnt_a.at[j],
                           jnp.where(gsel, c1[j % GROUP_SIZE], zero))

        out_v[N_EXPERTS + 0, pl.ds(off, LANES)] = w1
        out_v[N_EXPERTS + 1, pl.ds(off, LANES)] = w2
        out_v[N_EXPERTS + 2, pl.ds(off, LANES)] = i1.astype(jnp.float32)
        out_v[N_EXPERTS + 3, pl.ds(off, LANES)] = i2.astype(jnp.float32)
        return carry

    lax.fori_loop(0, TPW // LANES, body, 0)

    pltpu.sync_copy(out_v, out_hbm.at[wid])
    pltpu.sync_copy(imp_a, imp_hbm.at[wid])
    pltpu.sync_copy(cnt_a, cnt_hbm.at[wid])


_sc_route_call = functools.partial(
    pl.kernel,
    out_type=(
        jax.ShapeDtypeStruct((NW, N_EXPERTS + 2 * K, TPW), jnp.float32),
        jax.ShapeDtypeStruct((NW, N_EXPERTS, LANES), jnp.float32),
        jax.ShapeDtypeStruct((NW, N_EXPERTS, LANES), jnp.float32),
    ),
    mesh=plsc.VectorSubcoreMesh(core_axis_name="c", subcore_axis_name="s"),
    scratch_types=[
        pltpu.VMEM((W_ROWS, TPW), jnp.float32),
        pltpu.VMEM((N_EXPERTS + 2 * K, TPW), jnp.float32),
        pltpu.VMEM((N_EXPERTS, LANES), jnp.float32),
        pltpu.VMEM((N_EXPERTS, LANES), jnp.float32),
    ],
)(_sc_route)


@jax.jit
def kernel(x, W_expert, W_group):
    x2d = x.reshape(N_TOK, D_MODEL)
    w_cat = jnp.concatenate(
        [W_expert, W_group,
         jnp.zeros((W_ROWS - N_EXPERTS - N_GROUPS, D_MODEL), jnp.float32)],
        axis=0)
    parts = []
    for c in range(N_CHUNK):
        logits = _logits_tc(
            lax.slice_in_dim(x2d, c * TOK_C, (c + 1) * TOK_C, axis=0), w_cat)
        parts.append(_sc_route_call(logits))

    packed = jnp.concatenate(
        [jnp.transpose(p[0], (0, 2, 1)).reshape(TOK_C, N_EXPERTS + 2 * K)
         for p in parts],
        axis=0)
    probs_full = packed[:, :N_EXPERTS].reshape(4, 4096, N_EXPERTS)
    scores = packed[:, N_EXPERTS:N_EXPERTS + K].reshape(4, 4096, K)
    idx = packed[:, N_EXPERTS + K:].astype(jnp.int32).reshape(4, 4096, K)
    imp_p = sum(jnp.sum(p[1], axis=(0, 2)) for p in parts)
    cnt_p = sum(jnp.sum(p[2], axis=(0, 2)) for p in parts)
    importance = imp_p / float(N_TOK)
    load = cnt_p / jnp.maximum(jnp.sum(cnt_p), 1.0)
    return (idx, scores, probs_full, importance, load)

# --- scband reference (transcript-rebuilt; emitter-appended) ---
"""Pipeline reference for scband-hierarchical-router-52544629899283 (READ-ONLY COPY).

The authoritative reference and input builder live on the scoring server;
editing this copy changes nothing except your own understanding.
"""

import jax, jax.numpy as jnp
import numpy as np

D_MODEL = 2048
N_EXPERTS = 16
GROUP_SIZES = [4, 4, 4, 4]
K = 2
TEMP = 1.0
STARTS = np.array([0, 4, 8, 12], dtype=np.int32)
ENDS = np.array([4, 8, 12, 16], dtype=np.int32)


def setup_inputs(seed: int = 0) -> dict:
    key = jax.random.key(seed)
    k1, k2, k3 = jax.random.split(key, 3)
    x = jax.random.normal(k1, (4, 4096, D_MODEL), dtype=jnp.float32)
    W_expert = jax.random.normal(k2, (N_EXPERTS, D_MODEL), dtype=jnp.float32) * 0.02
    W_group = jax.random.normal(k3, (len(GROUP_SIZES), D_MODEL), dtype=jnp.float32) * 0.02
    return {"x": x, "W_expert": W_expert, "W_group": W_group}


def reference(x, W_expert, W_group):
    starts = jnp.asarray(STARTS)
    ends = jnp.asarray(ENDS)
    # cond is None -> h = x; cond_proj unused
    expert_logits = jnp.einsum('bsd,ed->bse', x, W_expert)
    expert_logits = expert_logits * (1.0 / TEMP)
    group_logits = jnp.einsum('bsd,gd->bsg', x, W_group)
    group_probs = jax.nn.softmax(group_logits, axis=-1)
    g_idx = jnp.argmax(group_probs, axis=-1)
    a = starts[g_idx][..., None]
    b = ends[g_idx][..., None]
    rng = jnp.arange(N_EXPERTS, dtype=jnp.int32)[None, None, :]
    mask = (rng < a) | (rng >= b)
    neg = jnp.finfo(expert_logits.dtype).min
    masked = mask.astype(expert_logits.dtype) * neg + (~mask).astype(expert_logits.dtype) * expert_logits
    probs_full = jax.nn.softmax(masked, axis=-1)
    topk_vals, idx = jax.lax.top_k(masked, K)
    scores = jax.nn.softmax(topk_vals, axis=-1)
    # aux stats (no_grad in torch)
    importance = jnp.mean(probs_full, axis=(0, 1))
    idx_flat = idx.reshape(-1)
    oh = jax.nn.one_hot(idx_flat, N_EXPERTS, dtype=probs_full.dtype)
    counts = jnp.sum(oh, axis=0)
    den = jnp.maximum(jnp.sum(counts), 1.0)
    load = counts / den
    return (idx, scores, probs_full, importance, load)

if __name__ == "__main__":
    import jax
    _d = setup_inputs()
    print(jax.jit(kernel)(*tuple(_d.values())))

</pallas_src>

<mosaic_0001>
#map = affine_map<(d0, d1) -> (0, 0, 0)>
module attributes {stable_mosaic.version = 14 : i64} {
  func.func @_sc_route(%arg0: i32, %arg1: i32, %arg2: memref<32x24x512xf32, #tpu.memory_space<hbm>>, %arg3: memref<32x20x512xf32, #tpu.memory_space<hbm>>, %arg4: memref<32x16x16xf32, #tpu.memory_space<hbm>>, %arg5: memref<32x16x16xf32, #tpu.memory_space<hbm>>, %arg6: memref<24x512xf32, #tpu.memory_space<vmem>>, %arg7: memref<20x512xf32, #tpu.memory_space<vmem>>, %arg8: memref<16x16xf32, #tpu.memory_space<vmem>>, %arg9: memref<16x16xf32, #tpu.memory_space<vmem>>) attributes {dimension_semantics = [#tpu.dimension_semantics<core_parallel>, #tpu.dimension_semantics<subcore_parallel>], iteration_bounds = array<i64: 2, 16>, scalar_prefetch = 0 : i64, scratch_operands = 4 : i64, tpu.core_type = #tpu.core_type<sc_vector_subcore>, window_params = [{transform_indices = #map}, {transform_indices = #map}, {transform_indices = #map}, {transform_indices = #map}]} {
    %mul3A = arith.constant 2 : i32
    %mul3A_0 = arith.muli %arg1, %mul3A : i32
    %add3A = arith.addi %mul3A_0, %arg0 : i32
    "tpu.region"() ({
      %run_scoped3A = tpu.sem_alloc : memref<!tpu.dma_semaphore, #tpu.memory_space<semaphore_mem>>
      %dma_start3A = arith.constant 0 : i32
      %dma_start3A_198 = arith.constant 0 : i32
      %dma_start3A_199 = tpu.memref_slice %arg2[%add3A, %dma_start3A, %dma_start3A_198] : memref<32x24x512xf32, #tpu.memory_space<hbm>> -> memref<1x24x512xf32, #tpu.memory_space<hbm>>
      %dma_start3A_200 = tpu.memref_squeeze %dma_start3A_199 : memref<1x24x512xf32, #tpu.memory_space<hbm>> -> memref<24x512xf32, #tpu.memory_space<hbm>>
      %dma_start3A_201 = arith.constant 0 : i32
      %dma_start3A_202 = arith.constant 0 : i32
      %dma_start3A_203 = tpu.memref_slice %arg2[%add3A, %dma_start3A_201, %dma_start3A_202] : memref<32x24x512xf32, #tpu.memory_space<hbm>> -> memref<1x24x512xf32, #tpu.memory_space<hbm>>
      %dma_start3A_204 = tpu.memref_squeeze %dma_start3A_203 : memref<1x24x512xf32, #tpu.memory_space<hbm>> -> memref<24x512xf32, #tpu.memory_space<hbm>>
      tpu.enqueue_dma source(%dma_start3A_204 : memref<24x512xf32, #tpu.memory_space<hbm>>) target(%arg6 : memref<24x512xf32, #tpu.memory_space<vmem>>) target_semaphore(%run_scoped3A : memref<!tpu.dma_semaphore, #tpu.memory_space<semaphore_mem>>)
      %dma_wait3A = arith.constant 0 : i32
      %dma_wait3A_205 = arith.constant 0 : i32
      %dma_wait3A_206 = tpu.memref_slice %arg2[%add3A, %dma_wait3A, %dma_wait3A_205] : memref<32x24x512xf32, #tpu.memory_space<hbm>> -> memref<1x24x512xf32, #tpu.memory_space<hbm>>
      %dma_wait3A_207 = tpu.memref_squeeze %dma_wait3A_206 : memref<1x24x512xf32, #tpu.memory_space<hbm>> -> memref<24x512xf32, #tpu.memory_space<hbm>>
      %dma_wait3A_208 = arith.constant 0 : i32
      %dma_wait3A_209 = arith.constant 0 : i32
      %dma_wait3A_210 = tpu.memref_slice %arg2[%add3A, %dma_wait3A_208, %dma_wait3A_209] : memref<32x24x512xf32, #tpu.memory_space<hbm>> -> memref<1x24x512xf32, #tpu.memory_space<hbm>>
      %dma_wait3A_211 = tpu.memref_squeeze %dma_wait3A_210 : memref<1x24x512xf32, #tpu.memory_space<hbm>> -> memref<24x512xf32, #tpu.memory_space<hbm>>
      tpu.wait_dma2 semaphore(%run_scoped3A : memref<!tpu.dma_semaphore, #tpu.memory_space<semaphore_mem>>) src(%dma_wait3A_211 : memref<24x512xf32, #tpu.memory_space<hbm>>) dst(%arg6 : memref<24x512xf32, #tpu.memory_space<vmem>>)
      tpu.yield
    }) : () -> ()
    %broadcast_in_dim3A = arith.constant 0.000000e+00 : f32
    %broadcast_in_dim3A_1 = vector.broadcast %broadcast_in_dim3A : f32 to vector<16xf32>
    %swap3A = arith.constant 0 : i32
    %swap3A_2 = arith.index_cast %swap3A : i32 to index
    %swap3A_3 = arith.constant 0 : index
    %swap3A_4 = tpu.vector_load %arg8[%swap3A_2, %swap3A_3] {strides = array<i32>} : memref<16x16xf32, #tpu.memory_space<vmem>>, vector<1x16xf32>,
    %swap3A_5 = vector.shape_cast %swap3A_4 : vector<1x16xf32> to vector<16xf32>
    %swap3A_6 = vector.shape_cast %broadcast_in_dim3A_1 : vector<16xf32> to vector<1x16xf32>
    tpu.vector_store %arg8[%swap3A_2, %swap3A_3], %swap3A_6 {strides = array<i32>} : memref<16x16xf32, #tpu.memory_space<vmem>>, vector<1x16xf32>,
    %swap3A_7 = arith.constant 0 : i32
    %swap3A_8 = arith.index_cast %swap3A_7 : i32 to index
    %swap3A_9 = arith.constant 0 : index
    %swap3A_10 = tpu.vector_load %arg9[%swap3A_8, %swap3A_9] {strides = array<i32>} : memref<16x16xf32, #tpu.memory_space<vmem>>, vector<1x16xf32>,
    %swap3A_11 = vector.shape_cast %swap3A_10 : vector<1x16xf32> to vector<16xf32>
    %swap3A_12 = vector.shape_cast %broadcast_in_dim3A_1 : vector<16xf32> to vector<1x16xf32>
    tpu.vector_store %arg9[%swap3A_8, %swap3A_9], %swap3A_12 {strides = array<i32>} : memref<16x16xf32, #tpu.memory_space<vmem>>, vector<1x16xf32>,
    %swap3A_13 = arith.constant 1 : i32
    %swap3A_14 = arith.index_cast %swap3A_13 : i32 to index
    %swap3A_15 = arith.constant 0 : index
    %swap3A_16 = tpu.vector_load %arg8[%swap3A_14, %swap3A_15] {strides = array<i32>} : memref<16x16xf32, #tpu.memory_space<vmem>>, vector<1x16xf32>,
    %swap3A_17 = vector.shape_cast %swap3A_16 : vector<1x16xf32> to vector<16xf32>
    %swap3A_18 = vector.shape_cast %broadcast_in_dim3A_1 : vector<16xf32> to vector<1x16xf32>
    tpu.vector_store %arg8[%swap3A_14, %swap3A_15], %swap3A_18 {strides = array<i32>} : memref<16x16xf32, #tpu.memory_space<vmem>>, vector<1x16xf32>,
    %swap3A_19 = arith.constant 1 : i32
    %swap3A_20 = arith.index_cast %swap3A_19 : i32 to index
    %swap3A_21 = arith.constant 0 : index
    %swap3A_22 = tpu.vector_load %arg9[%swap3A_20, %swap3A_21] {strides = array<i32>} : memref<16x16xf32, #tpu.memory_space<vmem>>, vector<1x16xf32>,
    %swap3A_23 = vector.shape_cast %swap3A_22 : vector<1x16xf32> to vector<16xf32>
    %swap3A_24 = vector.shape_cast %broadcast_in_dim3A_1 : vector<16xf32> to vector<1x16xf32>
    tpu.vector_store %arg9[%swap3A_20, %swap3A_21], %swap3A_24 {strides = array<i32>} : memref<16x16xf32, #tpu.memory_space<vmem>>, vector<1x16xf32>,
    %swap3A_25 = arith.constant 2 : i32
    %swap3A_26 = arith.index_cast %swap3A_25 : i32 to index
    %swap3A_27 = arith.constant 0 : index
    %swap3A_28 = tpu.vector_load %arg8[%swap3A_26, %swap3A_27] {strides = array<i32>} : memref<16x16xf32, #tpu.memory_space<vmem>>, vector<1x16xf32>,
    %swap3A_29 = vector.shape_cast %swap3A_28 : vector<1x16xf32> to vector<16xf32>
    %swap3A_30 = vector.shape_cast %broadcast_in_dim3A_1 : vector<16xf32> to vector<1x16xf32>
    tpu.vector_store %arg8[%swap3A_26, %swap3A_27], %swap3A_30 {strides = array<i32>} : memref<16x16xf32, #tpu.memory_space<vmem>>, vector<1x16xf32>,
    %swap3A_31 = arith.constant 2 : i32
    %swap3A_32 = arith.index_cast %swap3A_31 : i32 to index
    %swap3A_33 = arith.constant 0 : index
    %swap3A_34 = tpu.vector_load %arg9[%swap3A_32, %swap3A_33] {strides = array<i32>} : memref<16x16xf32, #tpu.memory_space<vmem>>, vector<1x16xf32>,
    %swap3A_35 = vector.shape_cast %swap3A_34 : vector<1x16xf32> to vector<16xf32>
    %swap3A_36 = vector.shape_cast %broadcast_in_dim3A_1 : vector<16xf32> to vector<1x16xf32>
    tpu.vector_store %arg9[%swap3A_32, %swap3A_33], %swap3A_36 {strides = array<i32>} : memref<16x16xf32, #tpu.memory_space<vmem>>, vector<1x16xf32>,
    %swap3A_37 = arith.constant 3 : i32
    %swap3A_38 = arith.index_cast %swap3A_37 : i32 to index
    %swap3A_39 = arith.constant 0 : index
    %swap3A_40 = tpu.vector_load %arg8[%swap3A_38, %swap3A_39] {strides = array<i32>} : memref<16x16xf32, #tpu.memory_space<vmem>>, vector<1x16xf32>,
    %swap3A_41 = vector.shape_cast %swap3A_40 : vector<1x16xf32> to vector<16xf32>
    %swap3A_42 = vector.shape_cast %broadcast_in_dim3A_1 : vector<16xf32> to vector<1x16xf32>
    tpu.vector_store %arg8[%swap3A_38, %swap3A_39], %swap3A_42 {strides = array<i32>} : memref<16x16xf32, #tpu.memory_space<vmem>>, vector<1x16xf32>,
    %swap3A_43 = arith.constant 3 : i32
    %swap3A_44 = arith.index_cast %swap3A_43 : i32 to index
    %swap3A_45 = arith.constant 0 : index
    %swap3A_46 = tpu.vector_load %arg9[%swap3A_44, %swap3A_45] {strides = array<i32>} : memref<16x16xf32, #tpu.memory_space<vmem>>, vector<1x16xf32>,
    %swap3A_47 = vector.shape_cast %swap3A_46 : vector<1x16xf32> to vector<16xf32>
    %swap3A_48 = vector.shape_cast %broadcast_in_dim3A_1 : vector<16xf32> to vector<1x16xf32>
    tpu.vector_store %arg9[%swap3A_44, %swap3A_45], %swap3A_48 {strides = array<i32>} : memref<16x16xf32, #tpu.memory_space<vmem>>, vector<1x16xf32>,
    %swap3A_49 = arith.constant 4 : i32
    %swap3A_50 = arith.index_cast %swap3A_49 : i32 to index
    %swap3A_51 = arith.constant 0 : index
    %swap3A_52 = tpu.vector_load %arg8[%swap3A_50, %swap3A_51] {strides = array<i32>} : memref<16x16xf32, #tpu.memory_space<vmem>>, vector<1x16xf32>,
    %swap3A_53 = vector.shape_cast %swap3A_52 : vector<1x16xf32> to vector<16xf32>
    %swap3A_54 = vector.shape_cast %broadcast_in_dim3A_1 : vector<16xf32> to vector<1x16xf32>
    tpu.vector_store %arg8[%swap3A_50, %swap3A_51], %swap3A_54 {strides = array<i32>} : memref<16x16xf32, #tpu.memory_space<vmem>>, vector<1x16xf32>,
    %swap3A_55 = arith.constant 4 : i32
    %swap3A_56 = arith.index_cast %swap3A_55 : i32 to index
    %swap3A_57 = arith.constant 0 : index
    %swap3A_58 = tpu.vector_load %arg9[%swap3A_56, %swap3A_57] {strides = array<i32>} : memref<16x16xf32, #tpu.memory_space<vmem>>, vector<1x16xf32>,
    %swap3A_59 = vector.shape_cast %swap3A_58 : vector<1x16xf32> to vector<16xf32>
    %swap3A_60 = vector.shape_cast %broadcast_in_dim3A_1 : vector<16xf32> to vector<1x16xf32>
    tpu.vector_store %arg9[%swap3A_56, %swap3A_57], %swap3A_60 {strides = array<i32>} : memref<16x16xf32, #tpu.memory_space<vmem>>, vector<1x16xf32>,
    %swap3A_61 = arith.constant 5 : i32
    %swap3A_62 = arith.index_cast %swap3A_61 : i32 to index
    %swap3A_63 = arith.constant 0 : index
    %swap3A_64 = tpu.vector_load %arg8[%swap3A_62, %swap3A_63] {strides = array<i32>} : memref<16x16xf32, #tpu.memory_space<vmem>>, vector<1x16xf32>,
    %swap3A_65 = vector.shape_cast %swap3A_64 : vector<1x16xf32> to vector<16xf32>
    %swap3A_66 = vector.shape_cast %broadcast_in_dim3A_1 : vector<16xf32> to vector<1x16xf32>
    tpu.vector_store %arg8[%swap3A_62, %swap3A_63], %swap3A_66 {strides = array<i32>} : memref<16x16xf32, #tpu.memory_space<vmem>>, vector<1x16xf32>,
    %swap3A_67 = arith.constant 5 : i32
    %swap3A_68 = arith.index_cast %swap3A_67 : i32 to index
    %swap3A_69 = arith.constant 0 : index
    %swap3A_70 = tpu.vector_load %arg9[%swap3A_68, %swap3A_69] {strides = array<i32>} : memref<16x16xf32, #tpu.memory_space<vmem>>, vector<1x16xf32>,
    %swap3A_71 = vector.shape_cast %swap3A_70 : vector<1x16xf32> to vector<16xf32>
    %swap3A_72 = vector.shape_cast %broadcast_in_dim3A_1 : vector<16xf32> to vector<1x16xf32>
    tpu.vector_store %arg9[%swap3A_68, %swap3A_69], %swap3A_72 {strides = array<i32>} : memref<16x16xf32, #tpu.memory_space<vmem>>, vector<1x16xf32>,
    %swap3A_73 = arith.constant 6 : i32
    %swap3A_74 = arith.index_cast %swap3A_73 : i32 to index
    %swap3A_75 = arith.constant 0 : index
    %swap3A_76 = tpu.vector_load %arg8[%swap3A_74, %swap3A_75] {strides = array<i32>} : memref<16x16xf32, #tpu.memory_space<vmem>>, vector<1x16xf32>,
    %swap3A_77 = vector.shape_cast %swap3A_76 : vector<1x16xf32> to vector<16xf32>
    %swap3A_78 = vector.shape_cast %broadcast_in_dim3A_1 : vector<16xf32> to vector<1x16xf32>
    tpu.vector_store %arg8[%swap3A_74, %swap3A_75], %swap3A_78 {strides = array<i32>} : memref<16x16xf32, #tpu.memory_space<vmem>>, vector<1x16xf32>,
    %swap3A_79 = arith.constant 6 : i32
    %swap3A_80 = arith.index_cast %swap3A_79 : i32 to index
    %swap3A_81 = arith.constant 0 : index
    %swap3A_82 = tpu.vector_load %arg9[%swap3A_80, %swap3A_81] {strides = array<i32>} : memref<16x16xf32, #tpu.memory_space<vmem>>, vector<1x16xf32>,
    %swap3A_83 = vector.shape_cast %swap3A_82 : vector<1x16xf32> to vector<16xf32>
    %swap3A_84 = vector.shape_cast %broadcast_in_dim3A_1 : vector<16xf32> to vector<1x16xf32>
    tpu.vector_store %arg9[%swap3A_80, %swap3A_81], %swap3A_84 {strides = array<i32>} : memref<16x16xf32, #tpu.memory_space<vmem>>, vector<1x16xf32>,
    %swap3A_85 = arith.constant 7 : i32
    %swap3A_86 = arith.index_cast %swap3A_85 : i32 to index
    %swap3A_87 = arith.constant 0 : index
    %swap3A_88 = tpu.vector_load %arg8[%swap3A_86, %swap3A_87] {strides = array<i32>} : memref<16x16xf32, #tpu.memory_space<vmem>>, vector<1x16xf32>,
    %swap3A_89 = vector.shape_cast %swap3A_88 : vector<1x16xf32> to vector<16xf32>
    %swap3A_90 = vector.shape_cast %broadcast_in_dim3A_1 : vector<16xf32> to vector<1x16xf32>
    tpu.vector_store %arg8[%swap3A_86, %swap3A_87], %swap3A_90 {strides = array<i32>} : memref<16x16xf32, #tpu.memory_space<vmem>>, vector<1x16xf32>,
    %swap3A_91 = arith.constant 7 : i32
    %swap3A_92 = arith.index_cast %swap3A_91 : i32 to index
    %swap3A_93 = arith.constant 0 : index
    %swap3A_94 = tpu.vector_load %arg9[%swap3A_92, %swap3A_93] {strides = array<i32>} : memref<16x16xf32, #tpu.memory_space<vmem>>, vector<1x16xf32>,
    %swap3A_95 = vector.shape_cast %swap3A_94 : vector<1x16xf32> to vector<16xf32>
    %swap3A_96 = vector.shape_cast %broadcast_in_dim3A_1 : vector<16xf32> to vector<1x16xf32>
    tpu.vector_store %arg9[%swap3A_92, %swap3A_93], %swap3A_96 {strides = array<i32>} : memref<16x16xf32, #tpu.memory_space<vmem>>, vector<1x16xf32>,
    %swap3A_97 = arith.constant 8 : i32
    %swap3A_98 = arith.index_cast %swap3A_97 : i32 to index
    %swap3A_99 = arith.constant 0 : index
    %swap3A_100 = tpu.vector_load %arg8[%swap3A_98, %swap3A_99] {strides = array<i32>} : memref<16x16xf32, #tpu.memory_space<vmem>>, vector<1x16xf32>,
    %swap3A_101 = vector.shape_cast %swap3A_100 : vector<1x16xf32> to vector<16xf32>
    %swap3A_102 = vector.shape_cast %broadcast_in_dim3A_1 : vector<16xf32> to vector<1x16xf32>
    tpu.vector_store %arg8[%swap3A_98, %swap3A_99], %swap3A_102 {strides = array<i32>} : memref<16x16xf32, #tpu.memory_space<vmem>>, vector<1x16xf32>,
    %swap3A_103 = arith.constant 8 : i32
    %swap3A_104 = arith.index_cast %swap3A_103 : i32 to index
    %swap3A_105 = arith.constant 0 : index
    %swap3A_106 = tpu.vector_load %arg9[%swap3A_104, %swap3A_105] {strides = array<i32>} : memref<16x16xf32, #tpu.memory_space<vmem>>, vector<1x16xf32>,
    %swap3A_107 = vector.shape_cast %swap3A_106 : vector<1x16xf32> to vector<16xf32>
    %swap3A_108 = vector.shape_cast %broadcast_in_dim3A_1 : vector<16xf32> to vector<1x16xf32>
    tpu.vector_store %arg9[%swap3A_104, %swap3A_105], %swap3A_108 {strides = array<i32>} : memref<16x16xf32, #tpu.memory_space<vmem>>, vector<1x16xf32>,
    %swap3A_109 = arith.constant 9 : i32
    %swap3A_110 = arith.index_cast %swap3A_109 : i32 to index
    %swap3A_111 = arith.constant 0 : index
    %swap3A_112 = tpu.vector_load %arg8[%swap3A_110, %swap3A_111] {strides = array<i32>} : memref<16x16xf32, #tpu.memory_space<vmem>>, vector<1x16xf32>,
    %swap3A_113 = vector.shape_cast %swap3A_112 : vector<1x16xf32> to vector<16xf32>
    %swap3A_114 = vector.shape_cast %broadcast_in_dim3A_1 : vector<16xf32> to vector<1x16xf32>
    tpu.vector_store %arg8[%swap3A_110, %swap3A_111], %swap3A_114 {strides = array<i32>} : memref<16x16xf32, #tpu.memory_space<vmem>>, vector<1x16xf32>,
    %swap3A_115 = arith.constant 9 : i32
    %swap3A_116 = arith.index_cast %swap3A_115 : i32 to index
    %swap3A_117 = arith.constant 0 : index
    %swap3A_118 = tpu.vector_load %arg9[%swap3A_116, %swap3A_117] {strides = array<i32>} : memref<16x16xf32, #tpu.memory_space<vmem>>, vector<1x16xf32>,
    %swap3A_119 = vector.shape_cast %swap3A_118 : vector<1x16xf32> to vector<16xf32>
    %swap3A_120 = vector.shape_cast %broadcast_in_dim3A_1 : vector<16xf32> to vector<1x16xf32>
    tpu.vector_store %arg9[%swap3A_116, %swap3A_117], %swap3A_120 {strides = array<i32>} : memref<16x16xf32, #tpu.memory_space<vmem>>, vector<1x16xf32>,
    %swap3A_121 = arith.constant 10 : i32
    %swap3A_122 = arith.index_cast %swap3A_121 : i32 to index
    %swap3A_123 = arith.constant 0 : index
    %swap3A_124 = tpu.vector_load %arg8[%swap3A_122, %swap3A_123] {strides = array<i32>} : memref<16x16xf32, #tpu.memory_space<vmem>>, vector<1x16xf32>,
    %swap3A_125 = vector.shape_cast %swap3A_124 : vector<1x16xf32> to vector<16xf32>
    %swap3A_126 = vector.shape_cast %broadcast_in_dim3A_1 : vector<16xf32> to vector<1x16xf32>
    tpu.vector_store %arg8[%swap3A_122, %swap3A_123], %swap3A_126 {strides = array<i32>} : memref<16x16xf32, #tpu.memory_space<vmem>>, vector<1x16xf32>,
    %swap3A_127 = arith.constant 10 : i32
    %swap3A_128 = arith.index_cast %swap3A_127 : i32 to index
    %swap3A_129 = arith.constant 0 : index
    %swap3A_130 = tpu.vector_load %arg9[%swap3A_128, %swap3A_129] {strides = array<i32>} : memref<16x16xf32, #tpu.memory_space<vmem>>, vector<1x16xf32>,
    %swap3A_131 = vector.shape_cast %swap3A_130 : vector<1x16xf32> to vector<16xf32>
    %swap3A_132 = vector.shape_cast %broadcast_in_dim3A_1 : vector<16xf32> to vector<1x16xf32>
    tpu.vector_store %arg9[%swap3A_128, %swap3A_129], %swap3A_132 {strides = array<i32>} : memref<16x16xf32, #tpu.memory_space<vmem>>, vector<1x16xf32>,
    %swap3A_133 = arith.constant 11 : i32
    %swap3A_134 = arith.index_cast %swap3A_133 : i32 to index
    %swap3A_135 = arith.constant 0 : index
    %swap3A_136 = tpu.vector_load %arg8[%swap3A_134, %swap3A_135] {strides = array<i32>} : memref<16x16xf32, #tpu.memory_space<vmem>>, vector<1x16xf32>,
    %swap3A_137 = vector.shape_cast %swap3A_136 : vector<1x16xf32> to vector<16xf32>
    %swap3A_138 = vector.shape_cast %broadcast_in_dim3A_1 : vector<16xf32> to vector<1x16xf32>
    tpu.vector_store %arg8[%swap3A_134, %swap3A_135], %swap3A_138 {strides = array<i32>} : memref<16x16xf32, #tpu.memory_space<vmem>>, vector<1x16xf32>,
    %swap3A_139 = arith.constant 11 : i32
    %swap3A_140 = arith.index_cast %swap3A_139 : i32 to index
    %swap3A_141 = arith.constant 0 : index
    %swap3A_142 = tpu.vector_load %arg9[%swap3A_140, %swap3A_141] {strides = array<i32>} : memref<16x16xf32, #tpu.memory_space<vmem>>, vector<1x16xf32>,
    %swap3A_143 = vector.shape_cast %swap3A_142 : vector<1x16xf32> to vector<16xf32>
    %swap3A_144 = vector.shape_cast %broadcast_in_dim3A_1 : vector<16xf32> to vector<1x16xf32>
    tpu.vector_store %arg9[%swap3A_140, %swap3A_141], %swap3A_144 {strides = array<i32>} : memref<16x16xf32, #tpu.memory_space<vmem>>, vector<1x16xf32>,
    %swap3A_145 = arith.constant 12 : i32
    %swap3A_146 = arith.index_cast %swap3A_145 : i32 to index
    %swap3A_147 = arith.constant 0 : index
    %swap3A_148 = tpu.vector_load %arg8[%swap3A_146, %swap3A_147] {strides = array<i32>} : memref<16x16xf32, #tpu.memory_space<vmem>>, vector<1x16xf32>,
    %swap3A_149 = vector.shape_cast %swap3A_148 : vector<1x16xf32> to vector<16xf32>
    %swap3A_150 = vector.shape_cast %broadcast_in_dim3A_1 : vector<16xf32> to vector<1x16xf32>
    tpu.vector_store %arg8[%swap3A_146, %swap3A_147], %swap3A_150 {strides = array<i32>} : memref<16x16xf32, #tpu.memory_space<vmem>>, vector<1x16xf32>,
    %swap3A_151 = arith.constant 12 : i32
    %swap3A_152 = arith.index_cast %swap3A_151 : i32 to index
    %swap3A_153 = arith.constant 0 : index
    %swap3A_154 = tpu.vector_load %arg9[%swap3A_152, %swap3A_153] {strides = array<i32>} : memref<16x16xf32, #tpu.memory_space<vmem>>, vector<1x16xf32>,
    %swap3A_155 = vector.shape_cast %swap3A_154 : vector<1x16xf32> to vector<16xf32>
    %swap3A_156 = vector.shape_cast %broadcast_in_dim3A_1 : vector<16xf32> to vector<1x16xf32>
    tpu.vector_store %arg9[%swap3A_152, %swap3A_153], %swap3A_156 {strides = array<i32>} : memref<16x16xf32, #tpu.memory_space<vmem>>, vector<1x16xf32>,
    %swap3A_157 = arith.constant 13 : i32
    %swap3A_158 = arith.index_cast %swap3A_157 : i32 to index
    %swap3A_159 = arith.constant 0 : index
    %swap3A_160 = tpu.vector_load %arg8[%swap3A_158, %swap3A_159] {strides = array<i32>} : memref<16x16xf32, #tpu.memory_space<vmem>>, vector<1x16xf32>,
    %swap3A_161 = vector.shape_cast %swap3A_160 : vector<1x16xf32> to vector<16xf32>
    %swap3A_162 = vector.shape_cast %broadcast_in_dim3A_1 : vector<16xf32> to vector<1x16xf32>
    tpu.vector_store %arg8[%swap3A_158, %swap3A_159], %swap3A_162 {strides = array<i32>} : memref<16x16xf32, #tpu.memory_space<vmem>>, vector<1x16xf32>,
    %swap3A_163 = arith.constant 13 : i32
    %swap3A_164 = arith.index_cast %swap3A_163 : i32 to index
    %swap3A_165 = arith.constant 0 : index
    %swap3A_166 = tpu.vector_load %arg9[%swap3A_164, %swap3A_165] {strides = array<i32>} : memref<16x16xf32, #tpu.memory_space<vmem>>, vector<1x16xf32>,
    %swap3A_167 = vector.shape_cast %swap3A_166 : vector<1x16xf32> to vector<16xf32>
    %swap3A_168 = vector.shape_cast %broadcast_in_dim3A_1 : vector<16xf32> to vector<1x16xf32>
    tpu.vector_store %arg9[%swap3A_164, %swap3A_165], %swap3A_168 {strides = array<i32>} : memref<16x16xf32, #tpu.memory_space<vmem>>, vector<1x16xf32>,
    %swap3A_169 = arith.constant 14 : i32
    %swap3A_170 = arith.index_cast %swap3A_169 : i32 to index
    %swap3A_171 = arith.constant 0 : index
    %swap3A_172 = tpu.vector_load %arg8[%swap3A_170, %swap3A_171] {strides = array<i32>} : memref<16x16xf32, #tpu.memory_space<vmem>>, vector<1x16xf32>,
    %swap3A_173 = vector.shape_cast %swap3A_172 : vector<1x16xf32> to vector<16xf32>
    %swap3A_174 = vector.shape_cast %broadcast_in_dim3A_1 : vector<16xf32> to vector<1x16xf32>
    tpu.vector_store %arg8[%swap3A_170, %swap3A_171], %swap3A_174 {strides = array<i32>} : memref<16x16xf32, #tpu.memory_space<vmem>>, vector<1x16xf32>,
    %swap3A_175 = arith.constant 14 : i32
    %swap3A_176 = arith.index_cast %swap3A_175 : i32 to index
    %swap3A_177 = arith.constant 0 : index
    %swap3A_178 = tpu.vector_load %arg9[%swap3A_176, %swap3A_177] {strides = array<i32>} : memref<16x16xf32, #tpu.memory_space<vmem>>, vector<1x16xf32>,
    %swap3A_179 = vector.shape_cast %swap3A_178 : vector<1x16xf32> to vector<16xf32>
    %swap3A_180 = vector.shape_cast %broadcast_in_dim3A_1 : vector<16xf32> to vector<1x16xf32>
    tpu.vector_store %arg9[%swap3A_176, %swap3A_177], %swap3A_180 {strides = array<i32>} : memref<16x16xf32, #tpu.memory_space<vmem>>, vector<1x16xf32>,
    %swap3A_181 = arith.constant 15 : i32
    %swap3A_182 = arith.index_cast %swap3A_181 : i32 to index
    %swap3A_183 = arith.constant 0 : index
    %swap3A_184 = tpu.vector_load %arg8[%swap3A_182, %swap3A_183] {strides = array<i32>} : memref<16x16xf32, #tpu.memory_space<vmem>>, vector<1x16xf32>,
    %swap3A_185 = vector.shape_cast %swap3A_184 : vector<1x16xf32> to vector<16xf32>
    %swap3A_186 = vector.shape_cast %broadcast_in_dim3A_1 : vector<16xf32> to vector<1x16xf32>
    tpu.vector_store %arg8[%swap3A_182, %swap3A_183], %swap3A_186 {strides = array<i32>} : memref<16x16xf32, #tpu.memory_space<vmem>>, vector<1x16xf32>,
    %swap3A_187 = arith.constant 15 : i32
    %swap3A_188 = arith.index_cast %swap3A_187 : i32 to index
    %swap3A_189 = arith.constant 0 : index
    %swap3A_190 = tpu.vector_load %arg9[%swap3A_188, %swap3A_189] {strides = array<i32>} : memref<16x16xf32, #tpu.memory_space<vmem>>, vector<1x16xf32>,
    %swap3A_191 = vector.shape_cast %swap3A_190 : vector<1x16xf32> to vector<16xf32>
    %swap3A_192 = vector.shape_cast %broadcast_in_dim3A_1 : vector<16xf32> to vector<1x16xf32>
    tpu.vector_store %arg9[%swap3A_188, %swap3A_189], %swap3A_192 {strides = array<i32>} : memref<16x16xf32, #tpu.memory_space<vmem>>, vector<1x16xf32>,
    %scan3A = arith.constant 0 : i32
    %scan3A_193 = arith.constant 0 : i32
    %scan3A_194 = arith.constant 32 : i32
    %scan3A_195 = arith.addi %scan3A_193, %scan3A_194 : i32
    %scan3A_196 = arith.constant 1 : i32
    scf.for %scan3A_198 = %scan3A_193 to %scan3A_195 step %scan3A_196  : i32 {
      %mul3A_199 = arith.constant 16 : i32
      %mul3A_200 = arith.muli %scan3A_198, %mul3A_199 : i32
      %get3A = arith.constant 0 : i32
      %get3A_201 = arith.index_cast %get3A : i32 to index
      %get3A_202 = arith.index_cast %mul3A_200 : i32 to index
      %get3A_203 = tpu.vector_load %arg6[%get3A_201, %get3A_202] {strides = array<i32>} : memref<24x512xf32, #tpu.memory_space<vmem>>, vector<1x16xf32>,
      %get3A_204 = vector.shape_cast %get3A_203 : vector<1x16xf32> to vector<16xf32>
      %get3A_205 = arith.constant 1 : i32
      %get3A_206 = arith.index_cast %get3A_205 : i32 to index
      %get3A_207 = arith.index_cast %mul3A_200 : i32 to index
      %get3A_208 = tpu.vector_load %arg6[%get3A_206, %get3A_207] {strides = array<i32>} : memref<24x512xf32, #tpu.memory_space<vmem>>, vector<1x16xf32>,
      %get3A_209 = vector.shape_cast %get3A_208 : vector<1x16xf32> to vector<16xf32>
      %get3A_210 = arith.constant 2 : i32
      %get3A_211 = arith.index_cast %get3A_210 : i32 to index
      %get3A_212 = arith.index_cast %mul3A_200 : i32 to index
      %get3A_213 = tpu.vector_load %arg6[%get3A_211, %get3A_212] {strides = array<i32>} : memref<24x512xf32, #tpu.memory_space<vmem>>, vector<1x16xf32>,
      %get3A_214 = vector.shape_cast %get3A_213 : vector<1x16xf32> to vector<16xf32>
      %get3A_215 = arith.constant 3 : i32
      %get3A_216 = arith.index_cast %get3A_215 : i32 to index
      %get3A_217 = arith.index_cast %mul3A_200 : i32 to index
      %get3A_218 = tpu.vector_load %arg6[%get3A_216, %get3A_217] {strides = array<i32>} : memref<24x512xf32, #tpu.memory_space<vmem>>, vector<1x16xf32>,
      %get3A_219 = vector.shape_cast %get3A_218 : vector<1x16xf32> to vector<16xf32>
      %get3A_220 = arith.constant 4 : i32
      %get3A_221 = arith.index_cast %get3A_220 : i32 to index
      %get3A_222 = arith.index_cast %mul3A_200 : i32 to index
      %get3A_223 = tpu.vector_load %arg6[%get3A_221, %get3A_222] {strides = array<i32>} : memref<24x512xf32, #tpu.memory_space<vmem>>, vector<1x16xf32>,
      %get3A_224 = vector.shape_cast %get3A_223 : vector<1x16xf32> to vector<16xf32>
      %get3A_225 = arith.constant 5 : i32
      %get3A_226 = arith.index_cast %get3A_225 : i32 to index
      %get3A_227 = arith.index_cast %mul3A_200 : i32 to index
      %get3A_228 = tpu.vector_load %arg6[%get3A_226, %get3A_227] {strides = array<i32>} : memref<24x512xf32, #tpu.memory_space<vmem>>, vector<1x16xf32>,
      %get3A_229 = vector.shape_cast %get3A_228 : vector<1x16xf32> to vector<16xf32>
      %get3A_230 = arith.constant 6 : i32
      %get3A_231 = arith.index_cast %get3A_230 : i32 to index
      %get3A_232 = arith.index_cast %mul3A_200 : i32 to index
      %get3A_233 = tpu.vector_load %arg6[%get3A_231, %get3A_232] {strides = array<i32>} : memref<24x512xf32, #tpu.memory_space<vmem>>, vector<1x16xf32>,
      %get3A_234 = vector.shape_cast %get3A_233 : vector<1x16xf32> to vector<16xf32>
      %get3A_235 = arith.constant 7 : i32
      %get3A_236 = arith.index_cast %get3A_235 : i32 to index
      %get3A_237 = arith.index_cast %mul3A_200 : i32 to index
      %get3A_238 = tpu.vector_load %arg6[%get3A_236, %get3A_237] {strides = array<i32>} : memref<24x512xf32, #tpu.memory_space<vmem>>, vector<1x16xf32>,
      %get3A_239 = vector.shape_cast %get3A_238 : vector<1x16xf32> to vector<16xf32>
      %get3A_240 = arith.constant 8 : i32
      %get3A_241 = arith.index_cast %get3A_240 : i32 to index
      %get3A_242 = arith.index_cast %mul3A_200 : i32 to index
      %get3A_243 = tpu.vector_load %arg6[%get3A_241, %get3A_242] {strides = array<i32>} : memref<24x512xf32, #tpu.memory_space<vmem>>, vector<1x16xf32>,
      %get3A_244 = vector.shape_cast %get3A_243 : vector<1x16xf32> to vector<16xf32>
      %get3A_245 = arith.constant 9 : i32
      %get3A_246 = arith.index_cast %get3A_245 : i32 to index
      %get3A_247 = arith.index_cast %mul3A_200 : i32 to index
      %get3A_248 = tpu.vector_load %arg6[%get3A_246, %get3A_247] {strides = array<i32>} : memref<24x512xf32, #tpu.memory_space<vmem>>, vector<1x16xf32>,
      %get3A_249 = vector.shape_cast %get3A_248 : vector<1x16xf32> to vector<16xf32>
      %get3A_250 = arith.constant 10 : i32
      %get3A_251 = arith.index_cast %get3A_250 : i32 to index
      %get3A_252 = arith.index_cast %mul3A_200 : i32 to index
      %get3A_253 = tpu.vector_load %arg6[%get3A_251, %get3A_252] {strides = array<i32>} : memref<24x512xf32, #tpu.memory_space<vmem>>, vector<1x16xf32>,
      %get3A_254 = vector.shape_cast %get3A_253 : vector<1x16xf32> to vector<16xf32>
      %get3A_255 = arith.constant 11 : i32
      %get3A_256 = arith.index_cast %get3A_255 : i32 to index
      %get3A_257 = arith.index_cast %mul3A_200 : i32 to index
      %get3A_258 = tpu.vector_load %arg6[%get3A_256, %get3A_257] {strides = array<i32>} : memref<24x512xf32, #tpu.memory_space<vmem>>, vector<1x16xf32>,
      %get3A_259 = vector.shape_cast %get3A_258 : vector<1x16xf32> to vector<16xf32>
      %get3A_260 = arith.constant 12 : i32
      %get3A_261 = arith.index_cast %get3A_260 : i32 to index
      %get3A_262 = arith.index_cast %mul3A_200 : i32 to index
      %get3A_263 = tpu.vector_load %arg6[%get3A_261, %get3A_262] {strides = array<i32>} : memref<24x512xf32, #tpu.memory_space<vmem>>, vector<1x16xf32>,
      %get3A_264 = vector.shape_cast %get3A_263 : vector<1x16xf32> to vector<16xf32>
      %get3A_265 = arith.constant 13 : i32
      %get3A_266 = arith.index_cast %get3A_265 : i32 to index
      %get3A_267 = arith.index_cast %mul3A_200 : i32 to index
      %get3A_268 = tpu.vector_load %arg6[%get3A_266, %get3A_267] {strides = array<i32>} : memref<24x512xf32, #tpu.memory_space<vmem>>, vector<1x16xf32>,
      %get3A_269 = vector.shape_cast %get3A_268 : vector<1x16xf32> to vector<16xf32>
      %get3A_270 = arith.constant 14 : i32
      %get3A_271 = arith.index_cast %get3A_270 : i32 to index
      %get3A_272 = arith.index_cast %mul3A_200 : i32 to index
      %get3A_273 = tpu.vector_load %arg6[%get3A_271, %get3A_272] {strides = array<i32>} : memref<24x512xf32, #tpu.memory_space<vmem>>, vector<1x16xf32>,
      %get3A_274 = vector.shape_cast %get3A_273 : vector<1x16xf32> to vector<16xf32>
      %get3A_275 = arith.constant 15 : i32
      %get3A_276 = arith.index_cast %get3A_275 : i32 to index
      %get3A_277 = arith.index_cast %mul3A_200 : i32 to index
      %get3A_278 = tpu.vector_load %arg6[%get3A_276, %get3A_277] {strides = array<i32>} : memref<24x512xf32, #tpu.memory_space<vmem>>, vector<1x16xf32>,
      %get3A_279 = vector.shape_cast %get3A_278 : vector<1x16xf32> to vector<16xf32>
      %get3A_280 = arith.constant 16 : i32
      %get3A_281 = arith.index_cast %get3A_280 : i32 to index
      %get3A_282 = arith.index_cast %mul3A_200 : i32 to index
      %get3A_283 = tpu.vector_load %arg6[%get3A_281, %get3A_282] {strides = array<i32>} : memref<24x512xf32, #tpu.memory_space<vmem>>, vector<1x16xf32>,
      %get3A_284 = vector.shape_cast %get3A_283 : vector<1x16xf32> to vector<16xf32>
      %get3A_285 = arith.constant 17 : i32
      %get3A_286 = arith.index_cast %get3A_285 : i32 to index
      %get3A_287 = arith.index_cast %mul3A_200 : i32 to index
      %get3A_288 = tpu.vector_load %arg6[%get3A_286, %get3A_287] {strides = array<i32>} : memref<24x512xf32, #tpu.memory_space<vmem>>, vector<1x16xf32>,
      %get3A_289 = vector.shape_cast %get3A_288 : vector<1x16xf32> to vector<16xf32>
      %get3A_290 = arith.constant 18 : i32
      %get3A_291 = arith.index_cast %get3A_290 : i32 to index
      %get3A_292 = arith.index_cast %mul3A_200 : i32 to index
      %get3A_293 = tpu.vector_load %arg6[%get3A_291, %get3A_292] {strides = array<i32>} : memref<24x512xf32, #tpu.memory_space<vmem>>, vector<1x16xf32>,
      %get3A_294 = vector.shape_cast %get3A_293 : vector<1x16xf32> to vector<16xf32>
      %get3A_295 = arith.constant 19 : i32
      %get3A_296 = arith.index_cast %get3A_295 : i32 to index
      %get3A_297 = arith.index_cast %mul3A_200 : i32 to index
      %get3A_298 = tpu.vector_load %arg6[%get3A_296, %get3A_297] {strides = array<i32>} : memref<24x512xf32, #tpu.memory_space<vmem>>, vector<1x16xf32>,
      %get3A_299 = vector.shape_cast %get3A_298 : vector<1x16xf32> to vector<16xf32>
      %max3A = arith.maximumf %get3A_284, %get3A_289 : vector<16xf32>
      %max3A_300 = arith.maximumf %get3A_294, %get3A_299 : vector<16xf32>
      %max3A_301 = arith.maximumf %max3A, %max3A_300 : vector<16xf32>
      %eq3A = arith.cmpf oeq, %get3A_284, %max3A_301 : vector<16xf32>
      %eq3A_302 = arith.cmpf oeq, %get3A_289, %max3A_301 : vector<16xf32>
      %eq3A_303 = arith.cmpf oeq, %get3A_294, %max3A_301 : vector<16xf32>
      %eq3A_304 = arith.cmpf oeq, %get3A_299, %max3A_301 : vector<16xf32>
      %broadcast_in_dim3A_305 = arith.constant 3 : i32
      %broadcast_in_dim3A_306 = vector.broadcast %broadcast_in_dim3A_305 : i32 to vector<16xi32>
      %jit3A = arith.constant 2 : i32
      %broadcast_in_dim3A_307 = vector.broadcast %jit3A : i32 to vector<16xi32>
      %select_n3A = arith.select %eq3A_303, %broadcast_in_dim3A_307, %broadcast_in_dim3A_306 : vector<16xi1>, vector<16xi32>
      %jit3A_308 = arith.constant 1 : i32
      %broadcast_in_dim3A_309 = vector.broadcast %jit3A_308 : i32 to vector<16xi32>
      %select_n3A_310 = arith.select %eq3A_302, %broadcast_in_dim3A_309, %select_n3A : vector<16xi1>, vector<16xi32>
      %jit3A_311 = arith.constant 0 : i32
      %broadcast_in_dim3A_312 = vector.broadcast %jit3A_311 : i32 to vector<16xi32>
      %select_n3A_313 = arith.select %eq3A, %broadcast_in_dim3A_312, %select_n3A_310 : vector<16xi1>, vector<16xi32>
      %eq3A_314 = arith.constant 0 : i32
      %eq3A_315 = vector.broadcast %eq3A_314 : i32 to vector<16xi32>
      %eq3A_316 = arith.cmpi eq, %select_n3A_313, %eq3A_315 : vector<16xi32>
      %eq3A_317 = arith.constant 1 : i32
      %eq3A_318 = vector.broadcast %eq3A_317 : i32 to vector<16xi32>
      %eq3A_319 = arith.cmpi eq, %select_n3A_313, %eq3A_318 : vector<16xi32>
      %eq3A_320 = arith.constant 2 : i32
      %eq3A_321 = vector.broadcast %eq3A_320 : i32 to vector<16xi32>
      %eq3A_322 = arith.cmpi eq, %select_n3A_313, %eq3A_321 : vector<16xi32>
      %eq3A_323 = arith.constant 3 : i32
      %eq3A_324 = vector.broadcast %eq3A_323 : i32 to vector<16xi32>
      %eq3A_325 = arith.cmpi eq, %select_n3A_313, %eq3A_324 : vector<16xi32>
      %select_n3A_326 = arith.select %eq3A_322, %get3A_244, %get3A_264 : vector<16xi1>, vector<16xf32>
      %select_n3A_327 = arith.select %eq3A_319, %get3A_224, %select_n3A_326 : vector<16xi1>, vector<16xf32>
      %select_n3A_328 = arith.select %eq3A_316, %get3A_204, %select_n3A_327 : vector<16xi1>, vector<16xf32>
      %select_n3A_329 = arith.select %eq3A_322, %get3A_249, %get3A_269 : vector<16xi1>, vector<16xf32>
      %select_n3A_330 = arith.select %eq3A_319, %get3A_229, %select_n3A_329 : vector<16xi1>, vector<16xf32>
      %select_n3A_331 = arith.select %eq3A_316, %get3A_209, %select_n3A_330 : vector<16xi1>, vector<16xf32>
      %select_n3A_332 = arith.select %eq3A_322, %get3A_254, %get3A_274 : vector<16xi1>, vector<16xf32>
      %select_n3A_333 = arith.select %eq3A_319, %get3A_234, %select_n3A_332 : vector<16xi1>, vector<16xf32>
      %select_n3A_334 = arith.select %eq3A_316, %get3A_214, %select_n3A_333 : vector<16xi1>, vector<16xf32>
      %select_n3A_335 = arith.select %eq3A_322, %get3A_259, %get3A_279 : vector<16xi1>, vector<16xf32>
      %select_n3A_336 = arith.select %eq3A_319, %get3A_239, %select_n3A_335 : vector<16xi1>, vector<16xf32>
      %select_n3A_337 = arith.select %eq3A_316, %get3A_219, %select_n3A_336 : vector<16xi1>, vector<16xf32>
      %max3A_338 = arith.maximumf %select_n3A_328, %select_n3A_331 : vector<16xf32>
      %max3A_339 = arith.maximumf %select_n3A_334, %select_n3A_337 : vector<16xf32>
      %max3A_340 = arith.maximumf %max3A_338, %max3A_339 : vector<16xf32>
      %sub3A = arith.subf %select_n3A_328, %max3A_340 : vector<16xf32>
      %exp3A = math.exp %sub3A : vector<16xf32>
      %sub3A_341 = arith.subf %select_n3A_331, %max3A_340 : vector<16xf32>
      %exp3A_342 = math.exp %sub3A_341 : vector<16xf32>
      %sub3A_343 = arith.subf %select_n3A_334, %max3A_340 : vector<16xf32>
      %exp3A_344 = math.exp %sub3A_343 : vector<16xf32>
      %sub3A_345 = arith.subf %select_n3A_337, %max3A_340 : vector<16xf32>
      %exp3A_346 = math.exp %sub3A_345 : vector<16xf32>
      %add3A_347 = arith.addf %exp3A, %exp3A_342 : vector<16xf32>
      %add3A_348 = arith.addf %add3A_347, %exp3A_344 : vector<16xf32>
      %add3A_349 = arith.addf %add3A_348, %exp3A_346 : vector<16xf32>
      %div3A = arith.constant 1.000000e+00 : f32
      %div3A_350 = vector.broadcast %div3A : f32 to vector<16xf32>
      %div3A_351 = arith.divf %div3A_350, %add3A_349 : vector<16xf32>
      %mul3A_352 = arith.mulf %exp3A, %div3A_351 : vector<16xf32>
      %mul3A_353 = arith.mulf %exp3A_342, %div3A_351 : vector<16xf32>
      %mul3A_354 = arith.mulf %exp3A_344, %div3A_351 : vector<16xf32>
      %mul3A_355 = arith.mulf %exp3A_346, %div3A_351 : vector<16xf32>
      %eq3A_356 = arith.cmpf oeq, %select_n3A_328, %max3A_340 : vector<16xf32>
      %eq3A_357 = arith.cmpf oeq, %select_n3A_331, %max3A_340 : vector<16xf32>
      %eq3A_358 = arith.cmpf oeq, %select_n3A_334, %max3A_340 : vector<16xf32>
      %eq3A_359 = arith.cmpf oeq, %select_n3A_337, %max3A_340 : vector<16xf32>
      %broadcast_in_dim3A_360 = arith.constant 3 : i32
      %broadcast_in_dim3A_361 = vector.broadcast %broadcast_in_dim3A_360 : i32 to vector<16xi32>
      %jit3A_362 = arith.constant 2 : i32
      %broadcast_in_dim3A_363 = vector.broadcast %jit3A_362 : i32 to vector<16xi32>
      %select_n3A_364 = arith.select %eq3A_358, %broadcast_in_dim3A_363, %broadcast_in_dim3A_361 : vector<16xi1>, vector<16xi32>
      %jit3A_365 = arith.constant 1 : i32
      %broadcast_in_dim3A_366 = vector.broadcast %jit3A_365 : i32 to vector<16xi32>
      %select_n3A_367 = arith.select %eq3A_357, %broadcast_in_dim3A_366, %select_n3A_364 : vector<16xi1>, vector<16xi32>
      %jit3A_368 = arith.constant 0 : i32
      %broadcast_in_dim3A_369 = vector.broadcast %jit3A_368 : i32 to vector<16xi32>
      %select_n3A_370 = arith.select %eq3A_356, %broadcast_in_dim3A_369, %select_n3A_367 : vector<16xi1>, vector<16xi32>
      %broadcast_in_dim3A_371 = arith.constant -3.40282347E+38 : f32
      %broadcast_in_dim3A_372 = vector.broadcast %broadcast_in_dim3A_371 : f32 to vector<16xf32>
      %eq3A_373 = arith.constant 0 : i32
      %eq3A_374 = vector.broadcast %eq3A_373 : i32 to vector<16xi32>
      %eq3A_375 = arith.cmpi eq, %select_n3A_370, %eq3A_374 : vector<16xi32>
      %eq3A_376 = arith.constant 1 : i32
      %eq3A_377 = vector.broadcast %eq3A_376 : i32 to vector<16xi32>
      %eq3A_378 = arith.cmpi eq, %select_n3A_370, %eq3A_377 : vector<16xi32>
      %eq3A_379 = arith.constant 2 : i32
      %eq3A_380 = vector.broadcast %eq3A_379 : i32 to vector<16xi32>
      %eq3A_381 = arith.cmpi eq, %select_n3A_370, %eq3A_380 : vector<16xi32>
      %eq3A_382 = arith.constant 3 : i32
      %eq3A_383 = vector.broadcast %eq3A_382 : i32 to vector<16xi32>
      %eq3A_384 = arith.cmpi eq, %select_n3A_370, %eq3A_383 : vector<16xi32>
      %jit3A_385 = arith.constant -3.40282347E+38 : f32
      %broadcast_in_dim3A_386 = vector.broadcast %jit3A_385 : f32 to vector<16xf32>
      %select_n3A_387 = arith.select %eq3A_375, %broadcast_in_dim3A_386, %select_n3A_328 : vector<16xi1>, vector<16xf32>
      %max3A_388 = arith.maximumf %broadcast_in_dim3A_372, %select_n3A_387 : vector<16xf32>
      %jit3A_389 = arith.constant -3.40282347E+38 : f32
      %broadcast_in_dim3A_390 = vector.broadcast %jit3A_389 : f32 to vector<16xf32>
      %select_n3A_391 = arith.select %eq3A_378, %broadcast_in_dim3A_390, %select_n3A_331 : vector<16xi1>, vector<16xf32>
      %max3A_392 = arith.maximumf %max3A_388, %select_n3A_391 : vector<16xf32>
      %jit3A_393 = arith.constant -3.40282347E+38 : f32
      %broadcast_in_dim3A_394 = vector.broadcast %jit3A_393 : f32 to vector<16xf32>
      %select_n3A_395 = arith.select %eq3A_381, %broadcast_in_dim3A_394, %select_n3A_334 : vector<16xi1>, vector<16xf32>
      %max3A_396 = arith.maximumf %max3A_392, %select_n3A_395 : vector<16xf32>
      %jit3A_397 = arith.constant -3.40282347E+38 : f32
      %broadcast_in_dim3A_398 = vector.broadcast %jit3A_397 : f32 to vector<16xf32>
      %select_n3A_399 = arith.select %eq3A_384, %broadcast_in_dim3A_398, %select_n3A_337 : vector<16xi1>, vector<16xf32>
      %max3A_400 = arith.maximumf %max3A_396, %select_n3A_399 : vector<16xf32>
      %eq3A_401 = arith.cmpf oeq, %select_n3A_328, %max3A_400 : vector<16xf32>
      %ne3A = arith.constant 0 : i32
      %ne3A_402 = vector.broadcast %ne3A : i32 to vector<16xi32>
      %ne3A_403 = arith.cmpi ne, %select_n3A_370, %ne3A_402 : vector<16xi32>
      %and3A = arith.andi %eq3A_401, %ne3A_403 : vector<16xi1>
      %eq3A_404 = arith.cmpf oeq, %select_n3A_331, %max3A_400 : vector<16xf32>
      %ne3A_405 = arith.constant 1 : i32
      %ne3A_406 = vector.broadcast %ne3A_405 : i32 to vector<16xi32>
      %ne3A_407 = arith.cmpi ne, %select_n3A_370, %ne3A_406 : vector<16xi32>
      %and3A_408 = arith.andi %eq3A_404, %ne3A_407 : vector<16xi1>
      %eq3A_409 = arith.cmpf oeq, %select_n3A_334, %max3A_400 : vector<16xf32>
      %ne3A_410 = arith.constant 2 : i32
      %ne3A_411 = vector.broadcast %ne3A_410 : i32 to vector<16xi32>
      %ne3A_412 = arith.cmpi ne, %select_n3A_370, %ne3A_411 : vector<16xi32>
      %and3A_413 = arith.andi %eq3A_409, %ne3A_412 : vector<16xi1>
      %eq3A_414 = arith.cmpf oeq, %select_n3A_337, %max3A_400 : vector<16xf32>
      %ne3A_415 = arith.constant 3 : i32
      %ne3A_416 = vector.broadcast %ne3A_415 : i32 to vector<16xi32>
      %ne3A_417 = arith.cmpi ne, %select_n3A_370, %ne3A_416 : vector<16xi32>
      %and3A_418 = arith.andi %eq3A_414, %ne3A_417 : vector<16xi1>
      %broadcast_in_dim3A_419 = arith.constant 0 : i32
      %broadcast_in_dim3A_420 = vector.broadcast %broadcast_in_dim3A_419 : i32 to vector<16xi32>
      %jit3A_421 = arith.constant 3 : i32
      %broadcast_in_dim3A_422 = vector.broadcast %jit3A_421 : i32 to vector<16xi32>
      %select_n3A_423 = arith.select %and3A_418, %broadcast_in_dim3A_422, %broadcast_in_dim3A_420 : vector<16xi1>, vector<16xi32>
      %jit3A_424 = arith.constant 2 : i32
      %broadcast_in_dim3A_425 = vector.broadcast %jit3A_424 : i32 to vector<16xi32>
      %select_n3A_426 = arith.select %and3A_413, %broadcast_in_dim3A_425, %select_n3A_423 : vector<16xi1>, vector<16xi32>
      %jit3A_427 = arith.constant 1 : i32
      %broadcast_in_dim3A_428 = vector.broadcast %jit3A_427 : i32 to vector<16xi32>
      %select_n3A_429 = arith.select %and3A_408, %broadcast_in_dim3A_428, %select_n3A_426 : vector<16xi1>, vector<16xi32>
      %jit3A_430 = arith.constant 0 : i32
      %broadcast_in_dim3A_431 = vector.broadcast %jit3A_430 : i32 to vector<16xi32>
      %select_n3A_432 = arith.select %and3A, %broadcast_in_dim3A_431, %select_n3A_429 : vector<16xi1>, vector<16xi32>
      %mul3A_433 = arith.constant 4 : i32
      %mul3A_434 = vector.broadcast %mul3A_433 : i32 to vector<16xi32>
      %mul3A_435 = arith.muli %select_n3A_313, %mul3A_434 : vector<16xi32>
      %add3A_436 = arith.addi %mul3A_435, %select_n3A_370 : vector<16xi32>
      %add3A_437 = arith.addi %mul3A_435, %select_n3A_432 : vector<16xi32>
      %sub3A_438 = arith.subf %max3A_400, %max3A_340 : vector<16xf32>
      %exp3A_439 = math.exp %sub3A_438 : vector<16xf32>
      %add3A_440 = arith.constant 1.000000e+00 : f32
      %add3A_441 = vector.broadcast %add3A_440 : f32 to vector<16xf32>
      %add3A_442 = arith.addf %add3A_441, %exp3A_439 : vector<16xf32>
      %div3A_443 = arith.constant 1.000000e+00 : f32
      %div3A_444 = vector.broadcast %div3A_443 : f32 to vector<16xf32>
      %div3A_445 = arith.divf %div3A_444, %add3A_442 : vector<16xf32>
      %mul3A_446 = arith.mulf %exp3A_439, %div3A_445 : vector<16xf32>
      %broadcast_in_dim3A_447 = arith.constant 1.000000e+00 : f32
      %broadcast_in_dim3A_448 = vector.broadcast %broadcast_in_dim3A_447 : f32 to vector<16xf32>
      %broadcast_in_dim3A_449 = arith.constant 0.000000e+00 : f32
      %broadcast_in_dim3A_450 = vector.broadcast %broadcast_in_dim3A_449 : f32 to vector<16xf32>
      %eq3A_451 = arith.constant 0 : i32
      %eq3A_452 = vector.broadcast %eq3A_451 : i32 to vector<16xi32>
      %eq3A_453 = arith.cmpi eq, %select_n3A_370, %eq3A_452 : vector<16xi32>
      %select_n3A_454 = arith.select %eq3A_453, %broadcast_in_dim3A_448, %broadcast_in_dim3A_450 : vector<16xi1>, vector<16xf32>
      %eq3A_455 = arith.constant 0 : i32
      %eq3A_456 = vector.broadcast %eq3A_455 : i32 to vector<16xi32>
      %eq3A_457 = arith.cmpi eq, %select_n3A_432, %eq3A_456 : vector<16xi32>
      %select_n3A_458 = arith.select %eq3A_457, %broadcast_in_dim3A_448, %broadcast_in_dim3A_450 : vector<16xi1>, vector<16xf32>
      %add3A_459 = arith.addf %select_n3A_454, %select_n3A_458 : vector<16xf32>
      %eq3A_460 = arith.constant 1 : i32
      %eq3A_461 = vector.broadcast %eq3A_460 : i32 to vector<16xi32>
      %eq3A_462 = arith.cmpi eq, %select_n3A_370, %eq3A_461 : vector<16xi32>
      %select_n3A_463 = arith.select %eq3A_462, %broadcast_in_dim3A_448, %broadcast_in_dim3A_450 : vector<16xi1>, vector<16xf32>
      %eq3A_464 = arith.constant 1 : i32
      %eq3A_465 = vector.broadcast %eq3A_464 : i32 to vector<16xi32>
      %eq3A_466 = arith.cmpi eq, %select_n3A_432, %eq3A_465 : vector<16xi32>
      %select_n3A_467 = arith.select %eq3A_466, %broadcast_in_dim3A_448, %broadcast_in_dim3A_450 : vector<16xi1>, vector<16xf32>
      %add3A_468 = arith.addf %select_n3A_463, %select_n3A_467 : vector<16xf32>
      %eq3A_469 = arith.constant 2 : i32
      %eq3A_470 = vector.broadcast %eq3A_469 : i32 to vector<16xi32>
      %eq3A_471 = arith.cmpi eq, %select_n3A_370, %eq3A_470 : vector<16xi32>
      %select_n3A_472 = arith.select %eq3A_471, %broadcast_in_dim3A_448, %broadcast_in_dim3A_450 : vector<16xi1>, vector<16xf32>
      %eq3A_473 = arith.constant 2 : i32
      %eq3A_474 = vector.broadcast %eq3A_473 : i32 to vector<16xi32>
      %eq3A_475 = arith.cmpi eq, %select_n3A_432, %eq3A_474 : vector<16xi32>
      %select_n3A_476 = arith.select %eq3A_475, %broadcast_in_dim3A_448, %broadcast_in_dim3A_450 : vector<16xi1>, vector<16xf32>
      %add3A_477 = arith.addf %select_n3A_472, %select_n3A_476 : vector<16xf32>
      %eq3A_478 = arith.constant 3 : i32
      %eq3A_479 = vector.broadcast %eq3A_478 : i32 to vector<16xi32>
      %eq3A_480 = arith.cmpi eq, %select_n3A_370, %eq3A_479 : vector<16xi32>
      %select_n3A_481 = arith.select %eq3A_480, %broadcast_in_dim3A_448, %broadcast_in_dim3A_450 : vector<16xi1>, vector<16xf32>
      %eq3A_482 = arith.constant 3 : i32
      %eq3A_483 = vector.broadcast %eq3A_482 : i32 to vector<16xi32>
      %eq3A_484 = arith.cmpi eq, %select_n3A_432, %eq3A_483 : vector<16xi32>
      %select_n3A_485 = arith.select %eq3A_484, %broadcast_in_dim3A_448, %broadcast_in_dim3A_450 : vector<16xi1>, vector<16xf32>
      %add3A_486 = arith.addf %select_n3A_481, %select_n3A_485 : vector<16xf32>
      %select_n3A_487 = arith.select %eq3A_316, %mul3A_352, %broadcast_in_dim3A_450 : vector<16xi1>, vector<16xf32>
      %swap3A_488 = arith.constant 0 : i32
      %swap3A_489 = arith.index_cast %swap3A_488 : i32 to index
      %swap3A_490 = arith.index_cast %mul3A_200 : i32 to index
      %swap3A_491 = tpu.vector_load %arg7[%swap3A_489, %swap3A_490] {strides = array<i32>} : memref<20x512xf32, #tpu.memory_space<vmem>>, vector<1x16xf32>,
      %swap3A_492 = vector.shape_cast %swap3A_491 : vector<1x16xf32> to vector<16xf32>
      %swap3A_493 = vector.shape_cast %select_n3A_487 : vector<16xf32> to vector<1x16xf32>
      tpu.vector_store %arg7[%swap3A_489, %swap3A_490], %swap3A_493 {strides = array<i32>} : memref<20x512xf32, #tpu.memory_space<vmem>>, vector<1x16xf32>,
      %swap3A_494 = arith.constant 0 : i32
      %swap3A_495 = arith.index_cast %swap3A_494 : i32 to index
      %swap3A_496 = arith.constant 0 : index
      %swap3A_497 = tpu.vector_load %arg8[%swap3A_495, %swap3A_496] {strides = array<i32>} : memref<16x16xf32, #tpu.memory_space<vmem>>, vector<1x16xf32>,
      %swap3A_498 = vector.shape_cast %swap3A_497 : vector<1x16xf32> to vector<16xf32>
      %swap3A_499 = vector.shape_cast %select_n3A_487 : vector<16xf32> to vector<1x16xf32>
      tpu.vector_store %arg8[%swap3A_495, %swap3A_496], %swap3A_499 {add = true, strides = array<i32>} : memref<16x16xf32, #tpu.memory_space<vmem>>, vector<1x16xf32>,
      %select_n3A_500 = arith.select %eq3A_316, %add3A_459, %broadcast_in_dim3A_450 : vector<16xi1>, vector<16xf32>
      %swap3A_501 = arith.constant 0 : i32
      %swap3A_502 = arith.index_cast %swap3A_501 : i32 to index
      %swap3A_503 = arith.constant 0 : index
      %swap3A_504 = tpu.vector_load %arg9[%swap3A_502, %swap3A_503] {strides = array<i32>} : memref<16x16xf32, #tpu.memory_space<vmem>>, vector<1x16xf32>,
      %swap3A_505 = vector.shape_cast %swap3A_504 : vector<1x16xf32> to vector<16xf32>
      %swap3A_506 = vector.shape_cast %select_n3A_500 : vector<16xf32> to vector<1x16xf32>
      tpu.vector_store %arg9[%swap3A_502, %swap3A_503], %swap3A_506 {add = true, strides = array<i32>} : memref<16x16xf32, #tpu.memory_space<vmem>>, vector<1x16xf32>,
      %select_n3A_507 = arith.select %eq3A_316, %mul3A_353, %broadcast_in_dim3A_450 : vector<16xi1>, vector<16xf32>
      %swap3A_508 = arith.constant 1 : i32
      %swap3A_509 = arith.index_cast %swap3A_508 : i32 to index
      %swap3A_510 = arith.index_cast %mul3A_200 : i32 to index
      %swap3A_511 = tpu.vector_load %arg7[%swap3A_509, %swap3A_510] {strides = array<i32>} : memref<20x512xf32, #tpu.memory_space<vmem>>, vector<1x16xf32>,
      %swap3A_512 = vector.shape_cast %swap3A_511 : vector<1x16xf32> to vector<16xf32>
      %swap3A_513 = vector.shape_cast %select_n3A_507 : vector<16xf32> to vector<1x16xf32>
      tpu.vector_store %arg7[%swap3A_509, %swap3A_510], %swap3A_513 {strides = array<i32>} : memref<20x512xf32, #tpu.memory_space<vmem>>, vector<1x16xf32>,
      %swap3A_514 = arith.constant 1 : i32
      %swap3A_515 = arith.index_cast %swap3A_514 : i32 to index
      %swap3A_516 = arith.constant 0 : index
      %swap3A_517 = tpu.vector_load %arg8[%swap3A_515, %swap3A_516] {strides = array<i32>} : memref<16x16xf32, #tpu.memory_space<vmem>>, vector<1x16xf32>,
      %swap3A_518 = vector.shape_cast %swap3A_517 : vector<1x16xf32> to vector<16xf32>
      %swap3A_519 = vector.shape_cast %select_n3A_507 : vector<16xf32> to vector<1x16xf32>
      tpu.vector_store %arg8[%swap3A_515, %swap3A_516], %swap3A_519 {add = true, strides = array<i32>} : memref<16x16xf32, #tpu.memory_space<vmem>>, vector<1x16xf32>,
      %select_n3A_520 = arith.select %eq3A_316, %add3A_468, %broadcast_in_dim3A_450 : vector<16xi1>, vector<16xf32>
      %swap3A_521 = arith.constant 1 : i32
      %swap3A_522 = arith.index_cast %swap3A_521 : i32 to index
      %swap3A_523 = arith.constant 0 : index
      %swap3A_524 = tpu.vector_load %arg9[%swap3A_522, %swap3A_523] {strides = array<i32>} : memref<16x16xf32, #tpu.memory_space<vmem>>, vector<1x16xf32>,
      %swap3A_525 = vector.shape_cast %swap3A_524 : vector<1x16xf32> to vector<16xf32>
      %swap3A_526 = vector.shape_cast %select_n3A_520 : vector<16xf32> to vector<1x16xf32>
      tpu.vector_store %arg9[%swap3A_522, %swap3A_523], %swap3A_526 {add = true, strides = array<i32>} : memref<16x16xf32, #tpu.memory_space<vmem>>, vector<1x16xf32>,
      %select_n3A_527 = arith.select %eq3A_316, %mul3A_354, %broadcast_in_dim3A_450 : vector<16xi1>, vector<16xf32>
      %swap3A_528 = arith.constant 2 : i32
      %swap3A_529 = arith.index_cast %swap3A_528 : i32 to index
      %swap3A_530 = arith.index_cast %mul3A_200 : i32 to index
      %swap3A_531 = tpu.vector_load %arg7[%swap3A_529, %swap3A_530] {strides = array<i32>} : memref<20x512xf32, #tpu.memory_space<vmem>>, vector<1x16xf32>,
      %swap3A_532 = vector.shape_cast %swap3A_531 : vector<1x16xf32> to vector<16xf32>
      %swap3A_533 = vector.shape_cast %select_n3A_527 : vector<16xf32> to vector<1x16xf32>
      tpu.vector_store %arg7[%swap3A_529, %swap3A_530], %swap3A_533 {strides = array<i32>} : memref<20x512xf32, #tpu.memory_space<vmem>>, vector<1x16xf32>,
      %swap3A_534 = arith.constant 2 : i32
      %swap3A_535 = arith.index_cast %swap3A_534 : i32 to index
      %swap3A_536 = arith.constant 0 : index
      %swap3A_537 = tpu.vector_load %arg8[%swap3A_535, %swap3A_536] {strides = array<i32>} : memref<16x16xf32, #tpu.memory_space<vmem>>, vector<1x16xf32>,
      %swap3A_538 = vector.shape_cast %swap3A_537 : vector<1x16xf32> to vector<16xf32>
      %swap3A_539 = vector.shape_cast %select_n3A_527 : vector<16xf32> to vector<1x16xf32>
      tpu.vector_store %arg8[%swap3A_535, %swap3A_536], %swap3A_539 {add = true, strides = array<i32>} : memref<16x16xf32, #tpu.memory_space<vmem>>, vector<1x16xf32>,
      %select_n3A_540 = arith.select %eq3A_316, %add3A_477, %broadcast_in_dim3A_450 : vector<16xi1>, vector<16xf32>
      %swap3A_541 = arith.constant 2 : i32
      %swap3A_542 = arith.index_cast %swap3A_541 : i32 to index
      %swap3A_543 = arith.constant 0 : index
      %swap3A_544 = tpu.vector_load %arg9[%swap3A_542, %swap3A_543] {strides = array<i32>} : memref<16x16xf32, #tpu.memory_space<vmem>>, vector<1x16xf32>,
      %swap3A_545 = vector.shape_cast %swap3A_544 : vector<1x16xf32> to vector<16xf32>
      %swap3A_546 = vector.shape_cast %select_n3A_540 : vector<16xf32> to vector<1x16xf32>
      tpu.vector_store %arg9[%swap3A_542, %swap3A_543], %swap3A_546 {add = true, strides = array<i32>} : memref<16x16xf32, #tpu.memory_space<vmem>>, vector<1x16xf32>,
      %select_n3A_547 = arith.select %eq3A_316, %mul3A_355, %broadcast_in_dim3A_450 : vector<16xi1>, vector<16xf32>
      %swap3A_548 = arith.constant 3 : i32
      %swap3A_549 = arith.index_cast %swap3A_548 : i32 to index
      %swap3A_550 = arith.index_cast %mul3A_200 : i32 to index
      %swap3A_551 = tpu.vector_load %arg7[%swap3A_549, %swap3A_550] {strides = array<i32>} : memref<20x512xf32, #tpu.memory_space<vmem>>, vector<1x16xf32>,
      %swap3A_552 = vector.shape_cast %swap3A_551 : vector<1x16xf32> to vector<16xf32>
      %swap3A_553 = vector.shape_cast %select_n3A_547 : vector<16xf32> to vector<1x16xf32>
      tpu.vector_store %arg7[%swap3A_549, %swap3A_550], %swap3A_553 {strides = array<i32>} : memref<20x512xf32, #tpu.memory_space<vmem>>, vector<1x16xf32>,
      %swap3A_554 = arith.constant 3 : i32
      %swap3A_555 = arith.index_cast %swap3A_554 : i32 to index
      %swap3A_556 = arith.constant 0 : index
      %swap3A_557 = tpu.vector_load %arg8[%swap3A_555, %swap3A_556] {strides = array<i32>} : memref<16x16xf32, #tpu.memory_space<vmem>>, vector<1x16xf32>,
      %swap3A_558 = vector.shape_cast %swap3A_557 : vector<1x16xf32> to vector<16xf32>
      %swap3A_559 = vector.shape_cast %select_n3A_547 : vector<16xf32> to vector<1x16xf32>
      tpu.vector_store %arg8[%swap3A_555, %swap3A_556], %swap3A_559 {add = true, strides = array<i32>} : memref<16x16xf32, #tpu.memory_space<vmem>>, vector<1x16xf32>,
      %select_n3A_560 = arith.select %eq3A_316, %add3A_486, %broadcast_in_dim3A_450 : vector<16xi1>, vector<16xf32>
      %swap3A_561 = arith.constant 3 : i32
      %swap3A_562 = arith.index_cast %swap3A_561 : i32 to index
      %swap3A_563 = arith.constant 0 : index
      %swap3A_564 = tpu.vector_load %arg9[%swap3A_562, %swap3A_563] {strides = array<i32>} : memref<16x16xf32, #tpu.memory_space<vmem>>, vector<1x16xf32>,
      %swap3A_565 = vector.shape_cast %swap3A_564 : vector<1x16xf32> to vector<16xf32>
      %swap3A_566 = vector.shape_cast %select_n3A_560 : vector<16xf32> to vector<1x16xf32>
      tpu.vector_store %arg9[%swap3A_562, %swap3A_563], %swap3A_566 {add = true, strides = array<i32>} : memref<16x16xf32, #tpu.memory_space<vmem>>, vector<1x16xf32>,
      %select_n3A_567 = arith.select %eq3A_319, %mul3A_352, %broadcast_in_dim3A_450 : vector<16xi1>, vector<16xf32>
      %swap3A_568 = arith.constant 4 : i32
      %swap3A_569 = arith.index_cast %swap3A_568 : i32 to index
      %swap3A_570 = arith.index_cast %mul3A_200 : i32 to index
      %swap3A_571 = tpu.vector_load %arg7[%swap3A_569, %swap3A_570] {strides = array<i32>} : memref<20x512xf32, #tpu.memory_space<vmem>>, vector<1x16xf32>,
      %swap3A_572 = vector.shape_cast %swap3A_571 : vector<1x16xf32> to vector<16xf32>
      %swap3A_573 = vector.shape_cast %select_n3A_567 : vector<16xf32> to vector<1x16xf32>
      tpu.vector_store %arg7[%swap3A_569, %swap3A_570], %swap3A_573 {strides = array<i32>} : memref<20x512xf32, #tpu.memory_space<vmem>>, vector<1x16xf32>,
      %swap3A_574 = arith.constant 4 : i32
      %swap3A_575 = arith.index_cast %swap3A_574 : i32 to index
      %swap3A_576 = arith.constant 0 : index
      %swap3A_577 = tpu.vector_load %arg8[%swap3A_575, %swap3A_576] {strides = array<i32>} : memref<16x16xf32, #tpu.memory_space<vmem>>, vector<1x16xf32>,
      %swap3A_578 = vector.shape_cast %swap3A_577 : vector<1x16xf32> to vector<16xf32>
      %swap3A_579 = vector.shape_cast %select_n3A_567 : vector<16xf32> to vector<1x16xf32>
      tpu.vector_store %arg8[%swap3A_575, %swap3A_576], %swap3A_579 {add = true, strides = array<i32>} : memref<16x16xf32, #tpu.memory_space<vmem>>, vector<1x16xf32>,
      %select_n3A_580 = arith.select %eq3A_319, %add3A_459, %broadcast_in_dim3A_450 : vector<16xi1>, vector<16xf32>
      %swap3A_581 = arith.constant 4 : i32
      %swap3A_582 = arith.index_cast %swap3A_581 : i32 to index
      %swap3A_583 = arith.constant 0 : index
      %swap3A_584 = tpu.vector_load %arg9[%swap3A_582, %swap3A_583] {strides = array<i32>} : memref<16x16xf32, #tpu.memory_space<vmem>>, vector<1x16xf32>,
      %swap3A_585 = vector.shape_cast %swap3A_584 : vector<1x16xf32> to vector<16xf32>
      %swap3A_586 = vector.shape_cast %select_n3A_580 : vector<16xf32> to vector<1x16xf32>
      tpu.vector_store %arg9[%swap3A_582, %swap3A_583], %swap3A_586 {add = true, strides = array<i32>} : memref<16x16xf32, #tpu.memory_space<vmem>>, vector<1x16xf32>,
      %select_n3A_587 = arith.select %eq3A_319, %mul3A_353, %broadcast_in_dim3A_450 : vector<16xi1>, vector<16xf32>
      %swap3A_588 = arith.constant 5 : i32
      %swap3A_589 = arith.index_cast %swap3A_588 : i32 to index
      %swap3A_590 = arith.index_cast %mul3A_200 : i32 to index
      %swap3A_591 = tpu.vector_load %arg7[%swap3A_589, %swap3A_590] {strides = array<i32>} : memref<20x512xf32, #tpu.memory_space<vmem>>, vector<1x16xf32>,
      %swap3A_592 = vector.shape_cast %swap3A_591 : vector<1x16xf32> to vector<16xf32>
      %swap3A_593 = vector.shape_cast %select_n3A_587 : vector<16xf32> to vector<1x16xf32>
      tpu.vector_store %arg7[%swap3A_589, %swap3A_590], %swap3A_593 {strides = array<i32>} : memref<20x512xf32, #tpu.memory_space<vmem>>, vector<1x16xf32>,
      %swap3A_594 = arith.constant 5 : i32
      %swap3A_595 = arith.index_cast %swap3A_594 : i32 to index
      %swap3A_596 = arith.constant 0 : index
      %swap3A_597 = tpu.vector_load %arg8[%swap3A_595, %swap3A_596] {strides = array<i32>} : memref<16x16xf32, #tpu.memory_space<vmem>>, vector<1x16xf32>,
      %swap3A_598 = vector.shape_cast %swap3A_597 : vector<1x16xf32> to vector<16xf32>
      %swap3A_599 = vector.shape_cast %select_n3A_587 : vector<16xf32> to vector<1x16xf32>
      tpu.vector_store %arg8[%swap3A_595, %swap3A_596], %swap3A_599 {add = true, strides = array<i32>} : memref<16x16xf32, #tpu.memory_space<vmem>>, vector<1x16xf32>,
      %select_n3A_600 = arith.select %eq3A_319, %add3A_468, %broadcast_in_dim3A_450 : vector<16xi1>, vector<16xf32>
      %swap3A_601 = arith.constant 5 : i32
      %swap3A_602 = arith.index_cast %swap3A_601 : i32 to index
      %swap3A_603 = arith.constant 0 : index
      %swap3A_604 = tpu.vector_load %arg9[%swap3A_602, %swap3A_603] {strides = array<i32>} : memref<16x16xf32, #tpu.memory_space<vmem>>, vector<1x16xf32>,
      %swap3A_605 = vector.shape_cast %swap3A_604 : vector<1x16xf32> to vector<16xf32>
      %swap3A_606 = vector.shape_cast %select_n3A_600 : vector<16xf32> to vector<1x16xf32>
      tpu.vector_store %arg9[%swap3A_602, %swap3A_603], %swap3A_606 {add = true, strides = array<i32>} : memref<16x16xf32, #tpu.memory_space<vmem>>, vector<1x16xf32>,
      %select_n3A_607 = arith.select %eq3A_319, %mul3A_354, %broadcast_in_dim3A_450 : vector<16xi1>, vector<16xf32>
      %swap3A_608 = arith.constant 6 : i32
      %swap3A_609 = arith.index_cast %swap3A_608 : i32 to index
      %swap3A_610 = arith.index_cast %mul3A_200 : i32 to index
      %swap3A_611 = tpu.vector_load %arg7[%swap3A_609, %swap3A_610] {strides = array<i32>} : memref<20x512xf32, #tpu.memory_space<vmem>>, vector<1x16xf32>,
      %swap3A_612 = vector.shape_cast %swap3A_611 : vector<1x16xf32> to vector<16xf32>
      %swap3A_613 = vector.shape_cast %select_n3A_607 : vector<16xf32> to vector<1x16xf32>
      tpu.vector_store %arg7[%swap3A_609, %swap3A_610], %swap3A_613 {strides = array<i32>} : memref<20x512xf32, #tpu.memory_space<vmem>>, vector<1x16xf32>,
      %swap3A_614 = arith.constant 6 : i32
      %swap3A_615 = arith.index_cast %swap3A_614 : i32 to index
      %swap3A_616 = arith.constant 0 : index
      %swap3A_617 = tpu.vector_load %arg8[%swap3A_615, %swap3A_616] {strides = array<i32>} : memref<16x16xf32, #tpu.memory_space<vmem>>, vector<1x16xf32>,
      %swap3A_618 = vector.shape_cast %swap3A_617 : vector<1x16xf32> to vector<16xf32>
      %swap3A_619 = vector.shape_cast %select_n3A_607 : vector<16xf32> to vector<1x16xf32>
      tpu.vector_store %arg8[%swap3A_615, %swap3A_616], %swap3A_619 {add = true, strides = array<i32>} : memref<16x16xf32, #tpu.memory_space<vmem>>, vector<1x16xf32>,
      %select_n3A_620 = arith.select %eq3A_319, %add3A_477, %broadcast_in_dim3A_450 : vector<16xi1>, vector<16xf32>
      %swap3A_621 = arith.constant 6 : i32
      %swap3A_622 = arith.index_cast %swap3A_621 : i32 to index
      %swap3A_623 = arith.constant 0 : index
      %swap3A_624 = tpu.vector_load %arg9[%swap3A_622, %swap3A_623] {strides = array<i32>} : memref<16x16xf32, #tpu.memory_space<vmem>>, vector<1x16xf32>,
      %swap3A_625 = vector.shape_cast %swap3A_624 : vector<1x16xf32> to vector<16xf32>
      %swap3A_626 = vector.shape_cast %select_n3A_620 : vector<16xf32> to vector<1x16xf32>
      tpu.vector_store %arg9[%swap3A_622, %swap3A_623], %swap3A_626 {add = true, strides = array<i32>} : memref<16x16xf32, #tpu.memory_space<vmem>>, vector<1x16xf32>,
      %select_n3A_627 = arith.select %eq3A_319, %mul3A_355, %broadcast_in_dim3A_450 : vector<16xi1>, vector<16xf32>
      %swap3A_628 = arith.constant 7 : i32
      %swap3A_629 = arith.index_cast %swap3A_628 : i32 to index
      %swap3A_630 = arith.index_cast %mul3A_200 : i32 to index
      %swap3A_631 = tpu.vector_load %arg7[%swap3A_629, %swap3A_630] {strides = array<i32>} : memref<20x512xf32, #tpu.memory_space<vmem>>, vector<1x16xf32>,
      %swap3A_632 = vector.shape_cast %swap3A_631 : vector<1x16xf32> to vector<16xf32>
      %swap3A_633 = vector.shape_cast %select_n3A_627 : vector<16xf32> to vector<1x16xf32>
      tpu.vector_store %arg7[%swap3A_629, %swap3A_630], %swap3A_633 {strides = array<i32>} : memref<20x512xf32, #tpu.memory_space<vmem>>, vector<1x16xf32>,
      %swap3A_634 = arith.constant 7 : i32
      %swap3A_635 = arith.index_cast %swap3A_634 : i32 to index
      %swap3A_636 = arith.constant 0 : index
      %swap3A_637 = tpu.vector_load %arg8[%swap3A_635, %swap3A_636] {strides = array<i32>} : memref<16x16xf32, #tpu.memory_space<vmem>>, vector<1x16xf32>,
      %swap3A_638 = vector.shape_cast %swap3A_637 : vector<1x16xf32> to vector<16xf32>
      %swap3A_639 = vector.shape_cast %select_n3A_627 : vector<16xf32> to vector<1x16xf32>
      tpu.vector_store %arg8[%swap3A_635, %swap3A_636], %swap3A_639 {add = true, strides = array<i32>} : memref<16x16xf32, #tpu.memory_space<vmem>>, vector<1x16xf32>,
      %select_n3A_640 = arith.select %eq3A_319, %add3A_486, %broadcast_in_dim3A_450 : vector<16xi1>, vector<16xf32>
      %swap3A_641 = arith.constant 7 : i32
      %swap3A_642 = arith.index_cast %swap3A_641 : i32 to index
      %swap3A_643 = arith.constant 0 : index
      %swap3A_644 = tpu.vector_load %arg9[%swap3A_642, %swap3A_643] {strides = array<i32>} : memref<16x16xf32, #tpu.memory_space<vmem>>, vector<1x16xf32>,
      %swap3A_645 = vector.shape_cast %swap3A_644 : vector<1x16xf32> to vector<16xf32>
      %swap3A_646 = vector.shape_cast %select_n3A_640 : vector<16xf32> to vector<1x16xf32>
      tpu.vector_store %arg9[%swap3A_642, %swap3A_643], %swap3A_646 {add = true, strides = array<i32>} : memref<16x16xf32, #tpu.memory_space<vmem>>, vector<1x16xf32>,
      %select_n3A_647 = arith.select %eq3A_322, %mul3A_352, %broadcast_in_dim3A_450 : vector<16xi1>, vector<16xf32>
      %swap3A_648 = arith.constant 8 : i32
      %swap3A_649 = arith.index_cast %swap3A_648 : i32 to index
      %swap3A_650 = arith.index_cast %mul3A_200 : i32 to index
      %swap3A_651 = tpu.vector_load %arg7[%swap3A_649, %swap3A_650] {strides = array<i32>} : memref<20x512xf32, #tpu.memory_space<vmem>>, vector<1x16xf32>,
      %swap3A_652 = vector.shape_cast %swap3A_651 : vector<1x16xf32> to vector<16xf32>
      %swap3A_653 = vector.shape_cast %select_n3A_647 : vector<16xf32> to vector<1x16xf32>
      tpu.vector_store %arg7[%swap3A_649, %swap3A_650], %swap3A_653 {strides = array<i32>} : memref<20x512xf32, #tpu.memory_space<vmem>>, vector<1x16xf32>,
      %swap3A_654 = arith.constant 8 : i32
      %swap3A_655 = arith.index_cast %swap3A_654 : i32 to index
      %swap3A_656 = arith.constant 0 : index
      %swap3A_657 = tpu.vector_load %arg8[%swap3A_655, %swap3A_656] {strides = array<i32>} : memref<16x16xf32, #tpu.memory_space<vmem>>, vector<1x16xf32>,
      %swap3A_658 = vector.shape_cast %swap3A_657 : vector<1x16xf32> to vector<16xf32>
      %swap3A_659 = vector.shape_cast %select_n3A_647 : vector<16xf32> to vector<1x16xf32>
      tpu.vector_store %arg8[%swap3A_655, %swap3A_656], %swap3A_659 {add = true, strides = array<i32>} : memref<16x16xf32, #tpu.memory_space<vmem>>, vector<1x16xf32>,
      %select_n3A_660 = arith.select %eq3A_322, %add3A_459, %broadcast_in_dim3A_450 : vector<16xi1>, vector<16xf32>
      %swap3A_661 = arith.constant 8 : i32
      %swap3A_662 = arith.index_cast %swap3A_661 : i32 to index
      %swap3A_663 = arith.constant 0 : index
      %swap3A_664 = tpu.vector_load %arg9[%swap3A_662, %swap3A_663] {strides = array<i32>} : memref<16x16xf32, #tpu.memory_space<vmem>>, vector<1x16xf32>,
      %swap3A_665 = vector.shape_cast %swap3A_664 : vector<1x16xf32> to vector<16xf32>
      %swap3A_666 = vector.shape_cast %select_n3A_660 : vector<16xf32> to vector<1x16xf32>
      tpu.vector_store %arg9[%swap3A_662, %swap3A_663], %swap3A_666 {add = true, strides = array<i32>} : memref<16x16xf32, #tpu.memory_space<vmem>>, vector<1x16xf32>,
      %select_n3A_667 = arith.select %eq3A_322, %mul3A_353, %broadcast_in_dim3A_450 : vector<16xi1>, vector<16xf32>
      %swap3A_668 = arith.constant 9 : i32
      %swap3A_669 = arith.index_cast %swap3A_668 : i32 to index
      %swap3A_670 = arith.index_cast %mul3A_200 : i32 to index
      %swap3A_671 = tpu.vector_load %arg7[%swap3A_669, %swap3A_670] {strides = array<i32>} : memref<20x512xf32, #tpu.memory_space<vmem>>, vector<1x16xf32>,
      %swap3A_672 = vector.shape_cast %swap3A_671 : vector<1x16xf32> to vector<16xf32>
      %swap3A_673 = vector.shape_cast %select_n3A_667 : vector<16xf32> to vector<1x16xf32>
      tpu.vector_store %arg7[%swap3A_669, %swap3A_670], %swap3A_673 {strides = array<i32>} : memref<20x512xf32, #tpu.memory_space<vmem>>, vector<1x16xf32>,
      %swap3A_674 = arith.constant 9 : i32
      %swap3A_675 = arith.index_cast %swap3A_674 : i32 to index
      %swap3A_676 = arith.constant 0 : index
      %swap3A_677 = tpu.vector_load %arg8[%swap3A_675, %swap3A_676] {strides = array<i32>} : memref<16x16xf32, #tpu.memory_space<vmem>>, vector<1x16xf32>,
      %swap3A_678 = vector.shape_cast %swap3A_677 : vector<1x16xf32> to vector<16xf32>
      %swap3A_679 = vector.shape_cast %select_n3A_667 : vector<16xf32> to vector<1x16xf32>
      tpu.vector_store %arg8[%swap3A_675, %swap3A_676], %swap3A_679 {add = true, strides = array<i32>} : memref<16x16xf32, #tpu.memory_space<vmem>>, vector<1x16xf32>,
      %select_n3A_680 = arith.select %eq3A_322, %add3A_468, %broadcast_in_dim3A_450 : vector<16xi1>, vector<16xf32>
      %swap3A_681 = arith.constant 9 : i32
      %swap3A_682 = arith.index_cast %swap3A_681 : i32 to index
      %swap3A_683 = arith.constant 0 : index
      %swap3A_684 = tpu.vector_load %arg9[%swap3A_682, %swap3A_683] {strides = array<i32>} : memref<16x16xf32, #tpu.memory_space<vmem>>, vector<1x16xf32>,
      %swap3A_685 = vector.shape_cast %swap3A_684 : vector<1x16xf32> to vector<16xf32>
      %swap3A_686 = vector.shape_cast %select_n3A_680 : vector<16xf32> to vector<1x16xf32>
      tpu.vector_store %arg9[%swap3A_682, %swap3A_683], %swap3A_686 {add = true, strides = array<i32>} : memref<16x16xf32, #tpu.memory_space<vmem>>, vector<1x16xf32>,
      %select_n3A_687 = arith.select %eq3A_322, %mul3A_354, %broadcast_in_dim3A_450 : vector<16xi1>, vector<16xf32>
      %swap3A_688 = arith.constant 10 : i32
      %swap3A_689 = arith.index_cast %swap3A_688 : i32 to index
      %swap3A_690 = arith.index_cast %mul3A_200 : i32 to index
      %swap3A_691 = tpu.vector_load %arg7[%swap3A_689, %swap3A_690] {strides = array<i32>} : memref<20x512xf32, #tpu.memory_space<vmem>>, vector<1x16xf32>,
      %swap3A_692 = vector.shape_cast %swap3A_691 : vector<1x16xf32> to vector<16xf32>
      %swap3A_693 = vector.shape_cast %select_n3A_687 : vector<16xf32> to vector<1x16xf32>
      tpu.vector_store %arg7[%swap3A_689, %swap3A_690], %swap3A_693 {strides = array<i32>} : memref<20x512xf32, #tpu.memory_space<vmem>>, vector<1x16xf32>,
      %swap3A_694 = arith.constant 10 : i32
      %swap3A_695 = arith.index_cast %swap3A_694 : i32 to index
      %swap3A_696 = arith.constant 0 : index
      %swap3A_697 = tpu.vector_load %arg8[%swap3A_695, %swap3A_696] {strides = array<i32>} : memref<16x16xf32, #tpu.memory_space<vmem>>, vector<1x16xf32>,
      %swap3A_698 = vector.shape_cast %swap3A_697 : vector<1x16xf32> to vector<16xf32>
      %swap3A_699 = vector.shape_cast %select_n3A_687 : vector<16xf32> to vector<1x16xf32>
      tpu.vector_store %arg8[%swap3A_695, %swap3A_696], %swap3A_699 {add = true, strides = array<i32>} : memref<16x16xf32, #tpu.memory_space<vmem>>, vector<1x16xf32>,
      %select_n3A_700 = arith.select %eq3A_322, %add3A_477, %broadcast_in_dim3A_450 : vector<16xi1>, vector<16xf32>
      %swap3A_701 = arith.constant 10 : i32
      %swap3A_702 = arith.index_cast %swap3A_701 : i32 to index
      %swap3A_703 = arith.constant 0 : index
      %swap3A_704 = tpu.vector_load %arg9[%swap3A_702, %swap3A_703] {strides = array<i32>} : memref<16x16xf32, #tpu.memory_space<vmem>>, vector<1x16xf32>,
      %swap3A_705 = vector.shape_cast %swap3A_704 : vector<1x16xf32> to vector<16xf32>
      %swap3A_706 = vector.shape_cast %select_n3A_700 : vector<16xf32> to vector<1x16xf32>
      tpu.vector_store %arg9[%swap3A_702, %swap3A_703], %swap3A_706 {add = true, strides = array<i32>} : memref<16x16xf32, #tpu.memory_space<vmem>>, vector<1x16xf32>,
      %select_n3A_707 = arith.select %eq3A_322, %mul3A_355, %broadcast_in_dim3A_450 : vector<16xi1>, vector<16xf32>
      %swap3A_708 = arith.constant 11 : i32
      %swap3A_709 = arith.index_cast %swap3A_708 : i32 to index
      %swap3A_710 = arith.index_cast %mul3A_200 : i32 to index
      %swap3A_711 = tpu.vector_load %arg7[%swap3A_709, %swap3A_710] {strides = array<i32>} : memref<20x512xf32, #tpu.memory_space<vmem>>, vector<1x16xf32>,
      %swap3A_712 = vector.shape_cast %swap3A_711 : vector<1x16xf32> to vector<16xf32>
      %swap3A_713 = vector.shape_cast %select_n3A_707 : vector<16xf32> to vector<1x16xf32>
      tpu.vector_store %arg7[%swap3A_709, %swap3A_710], %swap3A_713 {strides = array<i32>} : memref<20x512xf32, #tpu.memory_space<vmem>>, vector<1x16xf32>,
      %swap3A_714 = arith.constant 11 : i32
      %swap3A_715 = arith.index_cast %swap3A_714 : i32 to index
      %swap3A_716 = arith.constant 0 : index
      %swap3A_717 = tpu.vector_load %arg8[%swap3A_715, %swap3A_716] {strides = array<i32>} : memref<16x16xf32, #tpu.memory_space<vmem>>, vector<1x16xf32>,
      %swap3A_718 = vector.shape_cast %swap3A_717 : vector<1x16xf32> to vector<16xf32>
      %swap3A_719 = vector.shape_cast %select_n3A_707 : vector<16xf32> to vector<1x16xf32>
      tpu.vector_store %arg8[%swap3A_715, %swap3A_716], %swap3A_719 {add = true, strides = array<i32>} : memref<16x16xf32, #tpu.memory_space<vmem>>, vector<1x16xf32>,
      %select_n3A_720 = arith.select %eq3A_322, %add3A_486, %broadcast_in_dim3A_450 : vector<16xi1>, vector<16xf32>
      %swap3A_721 = arith.constant 11 : i32
      %swap3A_722 = arith.index_cast %swap3A_721 : i32 to index
      %swap3A_723 = arith.constant 0 : index
      %swap3A_724 = tpu.vector_load %arg9[%swap3A_722, %swap3A_723] {strides = array<i32>} : memref<16x16xf32, #tpu.memory_space<vmem>>, vector<1x16xf32>,
      %swap3A_725 = vector.shape_cast %swap3A_724 : vector<1x16xf32> to vector<16xf32>
      %swap3A_726 = vector.shape_cast %select_n3A_720 : vector<16xf32> to vector<1x16xf32>
      tpu.vector_store %arg9[%swap3A_722, %swap3A_723], %swap3A_726 {add = true, strides = array<i32>} : memref<16x16xf32, #tpu.memory_space<vmem>>, vector<1x16xf32>,
      %select_n3A_727 = arith.select %eq3A_325, %mul3A_352, %broadcast_in_dim3A_450 : vector<16xi1>, vector<16xf32>
      %swap3A_728 = arith.constant 12 : i32
      %swap3A_729 = arith.index_cast %swap3A_728 : i32 to index
      %swap3A_730 = arith.index_cast %mul3A_200 : i32 to index
      %swap3A_731 = tpu.vector_load %arg7[%swap3A_729, %swap3A_730] {strides = array<i32>} : memref<20x512xf32, #tpu.memory_space<vmem>>, vector<1x16xf32>,
      %swap3A_732 = vector.shape_cast %swap3A_731 : vector<1x16xf32> to vector<16xf32>
      %swap3A_733 = vector.shape_cast %select_n3A_727 : vector<16xf32> to vector<1x16xf32>
      tpu.vector_store %arg7[%swap3A_729, %swap3A_730], %swap3A_733 {strides = array<i32>} : memref<20x512xf32, #tpu.memory_space<vmem>>, vector<1x16xf32>,
      %swap3A_734 = arith.constant 12 : i32
      %swap3A_735 = arith.index_cast %swap3A_734 : i32 to index
      %swap3A_736 = arith.constant 0 : index
      %swap3A_737 = tpu.vector_load %arg8[%swap3A_735, %swap3A_736] {strides = array<i32>} : memref<16x16xf32, #tpu.memory_space<vmem>>, vector<1x16xf32>,
      %swap3A_738 = vector.shape_cast %swap3A_737 : vector<1x16xf32> to vector<16xf32>
      %swap3A_739 = vector.shape_cast %select_n3A_727 : vector<16xf32> to vector<1x16xf32>
      tpu.vector_store %arg8[%swap3A_735, %swap3A_736], %swap3A_739 {add = true, strides = array<i32>} : memref<16x16xf32, #tpu.memory_space<vmem>>, vector<1x16xf32>,
      %select_n3A_740 = arith.select %eq3A_325, %add3A_459, %broadcast_in_dim3A_450 : vector<16xi1>, vector<16xf32>
      %swap3A_741 = arith.constant 12 : i32
      %swap3A_742 = arith.index_cast %swap3A_741 : i32 to index
      %swap3A_743 = arith.constant 0 : index
      %swap3A_744 = tpu.vector_load %arg9[%swap3A_742, %swap3A_743] {strides = array<i32>} : memref<16x16xf32, #tpu.memory_space<vmem>>, vector<1x16xf32>,
      %swap3A_745 = vector.shape_cast %swap3A_744 : vector<1x16xf32> to vector<16xf32>
      %swap3A_746 = vector.shape_cast %select_n3A_740 : vector<16xf32> to vector<1x16xf32>
      tpu.vector_store %arg9[%swap3A_742, %swap3A_743], %swap3A_746 {add = true, strides = array<i32>} : memref<16x16xf32, #tpu.memory_space<vmem>>, vector<1x16xf32>,
      %select_n3A_747 = arith.select %eq3A_325, %mul3A_353, %broadcast_in_dim3A_450 : vector<16xi1>, vector<16xf32>
      %swap3A_748 = arith.constant 13 : i32
      %swap3A_749 = arith.index_cast %swap3A_748 : i32 to index
      %swap3A_750 = arith.index_cast %mul3A_200 : i32 to index
      %swap3A_751 = tpu.vector_load %arg7[%swap3A_749, %swap3A_750] {strides = array<i32>} : memref<20x512xf32, #tpu.memory_space<vmem>>, vector<1x16xf32>,
      %swap3A_752 = vector.shape_cast %swap3A_751 : vector<1x16xf32> to vector<16xf32>
      %swap3A_753 = vector.shape_cast %select_n3A_747 : vector<16xf32> to vector<1x16xf32>
      tpu.vector_store %arg7[%swap3A_749, %swap3A_750], %swap3A_753 {strides = array<i32>} : memref<20x512xf32, #tpu.memory_space<vmem>>, vector<1x16xf32>,
      %swap3A_754 = arith.constant 13 : i32
      %swap3A_755 = arith.index_cast %swap3A_754 : i32 to index
      %swap3A_756 = arith.constant 0 : index
      %swap3A_757 = tpu.vector_load %arg8[%swap3A_755, %swap3A_756] {strides = array<i32>} : memref<16x16xf32, #tpu.memory_space<vmem>>, vector<1x16xf32>,
      %swap3A_758 = vector.shape_cast %swap3A_757 : vector<1x16xf32> to vector<16xf32>
      %swap3A_759 = vector.shape_cast %select_n3A_747 : vector<16xf32> to vector<1x16xf32>
      tpu.vector_store %arg8[%swap3A_755, %swap3A_756], %swap3A_759 {add = true, strides = array<i32>} : memref<16x16xf32, #tpu.memory_space<vmem>>, vector<1x16xf32>,
      %select_n3A_760 = arith.select %eq3A_325, %add3A_468, %broadcast_in_dim3A_450 : vector<16xi1>, vector<16xf32>
      %swap3A_761 = arith.constant 13 : i32
      %swap3A_762 = arith.index_cast %swap3A_761 : i32 to index
      %swap3A_763 = arith.constant 0 : index
      %swap3A_764 = tpu.vector_load %arg9[%swap3A_762, %swap3A_763] {strides = array<i32>} : memref<16x16xf32, #tpu.memory_space<vmem>>, vector<1x16xf32>,
      %swap3A_765 = vector.shape_cast %swap3A_764 : vector<1x16xf32> to vector<16xf32>
      %swap3A_766 = vector.shape_cast %select_n3A_760 : vector<16xf32> to vector<1x16xf32>
      tpu.vector_store %arg9[%swap3A_762, %swap3A_763], %swap3A_766 {add = true, strides = array<i32>} : memref<16x16xf32, #tpu.memory_space<vmem>>, vector<1x16xf32>,
      %select_n3A_767 = arith.select %eq3A_325, %mul3A_354, %broadcast_in_dim3A_450 : vector<16xi1>, vector<16xf32>
      %swap3A_768 = arith.constant 14 : i32
      %swap3A_769 = arith.index_cast %swap3A_768 : i32 to index
      %swap3A_770 = arith.index_cast %mul3A_200 : i32 to index
      %swap3A_771 = tpu.vector_load %arg7[%swap3A_769, %swap3A_770] {strides = array<i32>} : memref<20x512xf32, #tpu.memory_space<vmem>>, vector<1x16xf32>,
      %swap3A_772 = vector.shape_cast %swap3A_771 : vector<1x16xf32> to vector<16xf32>
      %swap3A_773 = vector.shape_cast %select_n3A_767 : vector<16xf32> to vector<1x16xf32>
      tpu.vector_store %arg7[%swap3A_769, %swap3A_770], %swap3A_773 {strides = array<i32>} : memref<20x512xf32, #tpu.memory_space<vmem>>, vector<1x16xf32>,
      %swap3A_774 = arith.constant 14 : i32
      %swap3A_775 = arith.index_cast %swap3A_774 : i32 to index
      %swap3A_776 = arith.constant 0 : index
      %swap3A_777 = tpu.vector_load %arg8[%swap3A_775, %swap3A_776] {strides = array<i32>} : memref<16x16xf32, #tpu.memory_space<vmem>>, vector<1x16xf32>,
      %swap3A_778 = vector.shape_cast %swap3A_777 : vector<1x16xf32> to vector<16xf32>
      %swap3A_779 = vector.shape_cast %select_n3A_767 : vector<16xf32> to vector<1x16xf32>
      tpu.vector_store %arg8[%swap3A_775, %swap3A_776], %swap3A_779 {add = true, strides = array<i32>} : memref<16x16xf32, #tpu.memory_space<vmem>>, vector<1x16xf32>,
      %select_n3A_780 = arith.select %eq3A_325, %add3A_477, %broadcast_in_dim3A_450 : vector<16xi1>, vector<16xf32>
      %swap3A_781 = arith.constant 14 : i32
      %swap3A_782 = arith.index_cast %swap3A_781 : i32 to index
      %swap3A_783 = arith.constant 0 : index
      %swap3A_784 = tpu.vector_load %arg9[%swap3A_782, %swap3A_783] {strides = array<i32>} : memref<16x16xf32, #tpu.memory_space<vmem>>, vector<1x16xf32>,
      %swap3A_785 = vector.shape_cast %swap3A_784 : vector<1x16xf32> to vector<16xf32>
      %swap3A_786 = vector.shape_cast %select_n3A_780 : vector<16xf32> to vector<1x16xf32>
      tpu.vector_store %arg9[%swap3A_782, %swap3A_783], %swap3A_786 {add = true, strides = array<i32>} : memref<16x16xf32, #tpu.memory_space<vmem>>, vector<1x16xf32>,
      %select_n3A_787 = arith.select %eq3A_325, %mul3A_355, %broadcast_in_dim3A_450 : vector<16xi1>, vector<16xf32>
      %swap3A_788 = arith.constant 15 : i32
      %swap3A_789 = arith.index_cast %swap3A_788 : i32 to index
      %swap3A_790 = arith.index_cast %mul3A_200 : i32 to index
      %swap3A_791 = tpu.vector_load %arg7[%swap3A_789, %swap3A_790] {strides = array<i32>} : memref<20x512xf32, #tpu.memory_space<vmem>>, vector<1x16xf32>,
      %swap3A_792 = vector.shape_cast %swap3A_791 : vector<1x16xf32> to vector<16xf32>
      %swap3A_793 = vector.shape_cast %select_n3A_787 : vector<16xf32> to vector<1x16xf32>
      tpu.vector_store %arg7[%swap3A_789, %swap3A_790], %swap3A_793 {strides = array<i32>} : memref<20x512xf32, #tpu.memory_space<vmem>>, vector<1x16xf32>,
      %swap3A_794 = arith.constant 15 : i32
      %swap3A_795 = arith.index_cast %swap3A_794 : i32 to index
      %swap3A_796 = arith.constant 0 : index
      %swap3A_797 = tpu.vector_load %arg8[%swap3A_795, %swap3A_796] {strides = array<i32>} : memref<16x16xf32, #tpu.memory_space<vmem>>, vector<1x16xf32>,
      %swap3A_798 = vector.shape_cast %swap3A_797 : vector<1x16xf32> to vector<16xf32>
      %swap3A_799 = vector.shape_cast %select_n3A_787 : vector<16xf32> to vector<1x16xf32>
      tpu.vector_store %arg8[%swap3A_795, %swap3A_796], %swap3A_799 {add = true, strides = array<i32>} : memref<16x16xf32, #tpu.memory_space<vmem>>, vector<1x16xf32>,
      %select_n3A_800 = arith.select %eq3A_325, %add3A_486, %broadcast_in_dim3A_450 : vector<16xi1>, vector<16xf32>
      %swap3A_801 = arith.constant 15 : i32
      %swap3A_802 = arith.index_cast %swap3A_801 : i32 to index
      %swap3A_803 = arith.constant 0 : index
      %swap3A_804 = tpu.vector_load %arg9[%swap3A_802, %swap3A_803] {strides = array<i32>} : memref<16x16xf32, #tpu.memory_space<vmem>>, vector<1x16xf32>,
      %swap3A_805 = vector.shape_cast %swap3A_804 : vector<1x16xf32> to vector<16xf32>
      %swap3A_806 = vector.shape_cast %select_n3A_800 : vector<16xf32> to vector<1x16xf32>
      tpu.vector_store %arg9[%swap3A_802, %swap3A_803], %swap3A_806 {add = true, strides = array<i32>} : memref<16x16xf32, #tpu.memory_space<vmem>>, vector<1x16xf32>,
      %swap3A_807 = arith.constant 16 : i32
      %swap3A_808 = arith.index_cast %swap3A_807 : i32 to index
      %swap3A_809 = arith.index_cast %mul3A_200 : i32 to index
      %swap3A_810 = tpu.vector_load %arg7[%swap3A_808, %swap3A_809] {strides = array<i32>} : memref<20x512xf32, #tpu.memory_space<vmem>>, vector<1x16xf32>,
      %swap3A_811 = vector.shape_cast %swap3A_810 : vector<1x16xf32> to vector<16xf32>
      %swap3A_812 = vector.shape_cast %div3A_445 : vector<16xf32> to vector<1x16xf32>
      tpu.vector_store %arg7[%swap3A_808, %swap3A_809], %swap3A_812 {strides = array<i32>} : memref<20x512xf32, #tpu.memory_space<vmem>>, vector<1x16xf32>,
      %swap3A_813 = arith.constant 17 : i32
      %swap3A_814 = arith.index_cast %swap3A_813 : i32 to index
      %swap3A_815 = arith.index_cast %mul3A_200 : i32 to index
      %swap3A_816 = tpu.vector_load %arg7[%swap3A_814, %swap3A_815] {strides = array<i32>} : memref<20x512xf32, #tpu.memory_space<vmem>>, vector<1x16xf32>,
      %swap3A_817 = vector.shape_cast %swap3A_816 : vector<1x16xf32> to vector<16xf32>
      %swap3A_818 = vector.shape_cast %mul3A_446 : vector<16xf32> to vector<1x16xf32>
      tpu.vector_store %arg7[%swap3A_814, %swap3A_815], %swap3A_818 {strides = array<i32>} : memref<20x512xf32, #tpu.memory_space<vmem>>, vector<1x16xf32>,
      %convert_element_type3A = arith.sitofp %add3A_436 : vector<16xi32> to vector<16xf32>
      %swap3A_819 = arith.constant 18 : i32
      %swap3A_820 = arith.index_cast %swap3A_819 : i32 to index
      %swap3A_821 = arith.index_cast %mul3A_200 : i32 to index
      %swap3A_822 = tpu.vector_load %arg7[%swap3A_820, %swap3A_821] {strides = array<i32>} : memref<20x512xf32, #tpu.memory_space<vmem>>, vector<1x16xf32>,
      %swap3A_823 = vector.shape_cast %swap3A_822 : vector<1x16xf32> to vector<16xf32>
      %swap3A_824 = vector.shape_cast %convert_element_type3A : vector<16xf32> to vector<1x16xf32>
      tpu.vector_store %arg7[%swap3A_820, %swap3A_821], %swap3A_824 {strides = array<i32>} : memref<20x512xf32, #tpu.memory_space<vmem>>, vector<1x16xf32>,
      %convert_element_type3A_825 = arith.sitofp %add3A_437 : vector<16xi32> to vector<16xf32>
      %swap3A_826 = arith.constant 19 : i32
      %swap3A_827 = arith.index_cast %swap3A_826 : i32 to index
      %swap3A_828 = arith.index_cast %mul3A_200 : i32 to index
      %swap3A_829 = tpu.vector_load %arg7[%swap3A_827, %swap3A_828] {strides = array<i32>} : memref<20x512xf32, #tpu.memory_space<vmem>>, vector<1x16xf32>,
      %swap3A_830 = vector.shape_cast %swap3A_829 : vector<1x16xf32> to vector<16xf32>
      %swap3A_831 = vector.shape_cast %convert_element_type3A_825 : vector<16xf32> to vector<1x16xf32>
      tpu.vector_store %arg7[%swap3A_827, %swap3A_828], %swap3A_831 {strides = array<i32>} : memref<20x512xf32, #tpu.memory_space<vmem>>, vector<1x16xf32>,
    }
    %scan3A_197 = arith.constant 32 : i32
    "tpu.region"() ({
      %run_scoped3A = tpu.sem_alloc : memref<!tpu.dma_semaphore, #tpu.memory_space<semaphore_mem>>
      %dma_start3A = arith.constant 0 : i32
      %dma_start3A_198 = arith.constant 0 : i32
      %dma_start3A_199 = tpu.memref_slice %arg3[%add3A, %dma_start3A, %dma_start3A_198] : memref<32x20x512xf32, #tpu.memory_space<hbm>> -> memref<1x20x512xf32, #tpu.memory_space<hbm>>
      %dma_start3A_200 = tpu.memref_squeeze %dma_start3A_199 : memref<1x20x512xf32, #tpu.memory_space<hbm>> -> memref<20x512xf32, #tpu.memory_space<hbm>>
      %dma_start3A_201 = arith.constant 0 : i32
      %dma_start3A_202 = arith.constant 0 : i32
      %dma_start3A_203 = tpu.memref_slice %arg3[%add3A, %dma_start3A_201, %dma_start3A_202] : memref<32x20x512xf32, #tpu.memory_space<hbm>> -> memref<1x20x512xf32, #tpu.memory_space<hbm>>
      %dma_start3A_204 = tpu.memref_squeeze %dma_start3A_203 : memref<1x20x512xf32, #tpu.memory_space<hbm>> -> memref<20x512xf32, #tpu.memory_space<hbm>>
      tpu.enqueue_dma source(%arg7 : memref<20x512xf32, #tpu.memory_space<vmem>>) target(%dma_start3A_204 : memref<20x512xf32, #tpu.memory_space<hbm>>) target_semaphore(%run_scoped3A : memref<!tpu.dma_semaphore, #tpu.memory_space<semaphore_mem>>)
      %dma_wait3A = arith.constant 0 : i32
      %dma_wait3A_205 = arith.constant 0 : i32
      %dma_wait3A_206 = tpu.memref_slice %arg3[%add3A, %dma_wait3A, %dma_wait3A_205] : memref<32x20x512xf32, #tpu.memory_space<hbm>> -> memref<1x20x512xf32, #tpu.memory_space<hbm>>
      %dma_wait3A_207 = tpu.memref_squeeze %dma_wait3A_206 : memref<1x20x512xf32, #tpu.memory_space<hbm>> -> memref<20x512xf32, #tpu.memory_space<hbm>>
      %dma_wait3A_208 = arith.constant 0 : i32
      %dma_wait3A_209 = arith.constant 0 : i32
      %dma_wait3A_210 = tpu.memref_slice %arg3[%add3A, %dma_wait3A_208, %dma_wait3A_209] : memref<32x20x512xf32, #tpu.memory_space<hbm>> -> memref<1x20x512xf32, #tpu.memory_space<hbm>>
      %dma_wait3A_211 = tpu.memref_squeeze %dma_wait3A_210 : memref<1x20x512xf32, #tpu.memory_space<hbm>> -> memref<20x512xf32, #tpu.memory_space<hbm>>
      tpu.wait_dma2 semaphore(%run_scoped3A : memref<!tpu.dma_semaphore, #tpu.memory_space<semaphore_mem>>) src(%arg7 : memref<20x512xf32, #tpu.memory_space<vmem>>) dst(%dma_wait3A_211 : memref<20x512xf32, #tpu.memory_space<hbm>>)
      tpu.yield
    }) : () -> ()
    "tpu.region"() ({
      %run_scoped3A = tpu.sem_alloc : memref<!tpu.dma_semaphore, #tpu.memory_space<semaphore_mem>>
      %dma_start3A = arith.constant 0 : i32
      %dma_start3A_198 = arith.constant 0 : i32
      %dma_start3A_199 = tpu.memref_slice %arg4[%add3A, %dma_start3A, %dma_start3A_198] : memref<32x16x16xf32, #tpu.memory_space<hbm>> -> memref<1x16x16xf32, #tpu.memory_space<hbm>>
      %dma_start3A_200 = tpu.memref_squeeze %dma_start3A_199 : memref<1x16x16xf32, #tpu.memory_space<hbm>> -> memref<16x16xf32, #tpu.memory_space<hbm>>
      %dma_start3A_201 = arith.constant 0 : i32
      %dma_start3A_202 = arith.constant 0 : i32
      %dma_start3A_203 = tpu.memref_slice %arg4[%add3A, %dma_start3A_201, %dma_start3A_202] : memref<32x16x16xf32, #tpu.memory_space<hbm>> -> memref<1x16x16xf32, #tpu.memory_space<hbm>>
      %dma_start3A_204 = tpu.memref_squeeze %dma_start3A_203 : memref<1x16x16xf32, #tpu.memory_space<hbm>> -> memref<16x16xf32, #tpu.memory_space<hbm>>
      tpu.enqueue_dma source(%arg8 : memref<16x16xf32, #tpu.memory_space<vmem>>) target(%dma_start3A_204 : memref<16x16xf32, #tpu.memory_space<hbm>>) target_semaphore(%run_scoped3A : memref<!tpu.dma_semaphore, #tpu.memory_space<semaphore_mem>>)
      %dma_wait3A = arith.constant 0 : i32
      %dma_wait3A_205 = arith.constant 0 : i32
      %dma_wait3A_206 = tpu.memref_slice %arg4[%add3A, %dma_wait3A, %dma_wait3A_205] : memref<32x16x16xf32, #tpu.memory_space<hbm>> -> memref<1x16x16xf32, #tpu.memory_space<hbm>>
      %dma_wait3A_207 = tpu.memref_squeeze %dma_wait3A_206 : memref<1x16x16xf32, #tpu.memory_space<hbm>> -> memref<16x16xf32, #tpu.memory_space<hbm>>
      %dma_wait3A_208 = arith.constant 0 : i32
      %dma_wait3A_209 = arith.constant 0 : i32
      %dma_wait3A_210 = tpu.memref_slice %arg4[%add3A, %dma_wait3A_208, %dma_wait3A_209] : memref<32x16x16xf32, #tpu.memory_space<hbm>> -> memref<1x16x16xf32, #tpu.memory_space<hbm>>
      %dma_wait3A_211 = tpu.memref_squeeze %dma_wait3A_210 : memref<1x16x16xf32, #tpu.memory_space<hbm>> -> memref<16x16xf32, #tpu.memory_space<hbm>>
      tpu.wait_dma2 semaphore(%run_scoped3A : memref<!tpu.dma_semaphore, #tpu.memory_space<semaphore_mem>>) src(%arg8 : memref<16x16xf32, #tpu.memory_space<vmem>>) dst(%dma_wait3A_211 : memref<16x16xf32, #tpu.memory_space<hbm>>)
      tpu.yield
    }) : () -> ()
    "tpu.region"() ({
      %run_scoped3A = tpu.sem_alloc : memref<!tpu.dma_semaphore, #tpu.memory_space<semaphore_mem>>
      %dma_start3A = arith.constant 0 : i32
      %dma_start3A_198 = arith.constant 0 : i32
      %dma_start3A_199 = tpu.memref_slice %arg5[%add3A, %dma_start3A, %dma_start3A_198] : memref<32x16x16xf32, #tpu.memory_space<hbm>> -> memref<1x16x16xf32, #tpu.memory_space<hbm>>
      %dma_start3A_200 = tpu.memref_squeeze %dma_start3A_199 : memref<1x16x16xf32, #tpu.memory_space<hbm>> -> memref<16x16xf32, #tpu.memory_space<hbm>>
      %dma_start3A_201 = arith.constant 0 : i32
      %dma_start3A_202 = arith.constant 0 : i32
      %dma_start3A_203 = tpu.memref_slice %arg5[%add3A, %dma_start3A_201, %dma_start3A_202] : memref<32x16x16xf32, #tpu.memory_space<hbm>> -> memref<1x16x16xf32, #tpu.memory_space<hbm>>
      %dma_start3A_204 = tpu.memref_squeeze %dma_start3A_203 : memref<1x16x16xf32, #tpu.memory_space<hbm>> -> memref<16x16xf32, #tpu.memory_space<hbm>>
      tpu.enqueue_dma source(%arg9 : memref<16x16xf32, #tpu.memory_space<vmem>>) target(%dma_start3A_204 : memref<16x16xf32, #tpu.memory_space<hbm>>) target_semaphore(%run_scoped3A : memref<!tpu.dma_semaphore, #tpu.memory_space<semaphore_mem>>)
      %dma_wait3A = arith.constant 0 : i32
      %dma_wait3A_205 = arith.constant 0 : i32
      %dma_wait3A_206 = tpu.memref_slice %arg5[%add3A, %dma_wait3A, %dma_wait3A_205] : memref<32x16x16xf32, #tpu.memory_space<hbm>> -> memref<1x16x16xf32, #tpu.memory_space<hbm>>
      %dma_wait3A_207 = tpu.memref_squeeze %dma_wait3A_206 : memref<1x16x16xf32, #tpu.memory_space<hbm>> -> memref<16x16xf32, #tpu.memory_space<hbm>>
      %dma_wait3A_208 = arith.constant 0 : i32
      %dma_wait3A_209 = arith.constant 0 : i32
      %dma_wait3A_210 = tpu.memref_slice %arg5[%add3A, %dma_wait3A_208, %dma_wait3A_209] : memref<32x16x16xf32, #tpu.memory_space<hbm>> -> memref<1x16x16xf32, #tpu.memory_space<hbm>>
      %dma_wait3A_211 = tpu.memref_squeeze %dma_wait3A_210 : memref<1x16x16xf32, #tpu.memory_space<hbm>> -> memref<16x16xf32, #tpu.memory_space<hbm>>
      tpu.wait_dma2 semaphore(%run_scoped3A : memref<!tpu.dma_semaphore, #tpu.memory_space<semaphore_mem>>) src(%arg9 : memref<16x16xf32, #tpu.memory_space<vmem>>) dst(%dma_wait3A_211 : memref<16x16xf32, #tpu.memory_space<hbm>>)
      tpu.yield
    }) : () -> ()
    return
  }
}

module attributes {stable_mosaic.version = 14 : i64} {
  func.func @_mm_body(%arg0: i32, %arg1: memref<1024x2048xf32, #tpu.memory_space<vmem>>, %arg2: memref<24x2048xf32, #tpu.memory_space<vmem>>, %arg3: memref<2x24x512xf32, #tpu.memory_space<vmem>>) attributes {dimension_semantics = [#tpu.dimension_semantics<arbitrary>], iteration_bounds = array<i64: 16>, scalar_prefetch = 0 : i64, scratch_operands = 0 : i64, tpu.core_type = #tpu.core_type<tc>, window_params = [{transform_indices = @transform_0, window_bounds = array<i64: 1024, 2048>}, {pipeline_mode = #tpu.pipeline_mode<synchronous>, transform_indices = @transform_1, window_bounds = array<i64: 24, 2048>}, {transform_indices = @transform_2, window_bounds = array<i64: 2, 24, 512>}]} {
    %get3A = arith.constant 0 : index
    %get3A_0 = arith.constant 0 : index
    %get3A_1 = vector.load %arg2[%get3A, %get3A_0] : memref<24x2048xf32, #tpu.memory_space<vmem>>, vector<24x2048xf32>
    %get3A_2 = arith.constant 0 : index
    %get3A_3 = arith.constant 0 : index
    %get3A_4 = vector.load %arg1[%get3A_2, %get3A_3] : memref<1024x2048xf32, #tpu.memory_space<vmem>>, vector<1024x2048xf32>
    %dot_general3A = arith.constant dense<0.000000e+00> : vector<24x1024xf32>
    %dot_general3A_5 = tpu.matmul %get3A_1, %get3A_4, %dot_general3A {dimension_numbers = #tpu.dot_dimension_numbers<[1], [1], [0], [0], [0, 0, 1, 0], [], []>, transpose_lhs_hint = false} : vector<24x2048xf32>, vector<1024x2048xf32>, vector<24x1024xf32> -> vector<24x1024xf32>
    %slice3A = vector.extract_strided_slice %dot_general3A_5 {offsets = [0, 0], sizes = [24, 512], strides = [1, 1]} : vector<24x1024xf32> to vector<24x512xf32>
    %swap3A = arith.constant 0 : index
    %swap3A_6 = arith.constant 0 : index
    %swap3A_7 = arith.constant 0 : index
    %swap3A_8 = vector.load %arg3[%swap3A, %swap3A_6, %swap3A_7] : memref<2x24x512xf32, #tpu.memory_space<vmem>>, vector<1x24x512xf32>
    %swap3A_9 = vector.shape_cast %swap3A_8 : vector<1x24x512xf32> to vector<24x512xf32>
    %swap3A_10 = vector.shape_cast %slice3A : vector<24x512xf32> to vector<1x24x512xf32>
    tpu.vector_store %arg3[%swap3A, %swap3A_6, %swap3A_7], %swap3A_10 {strides = array<i32>} : memref<2x24x512xf32, #tpu.memory_space<vmem>>, vector<1x24x512xf32>,
    %slice3A_11 = vector.extract_strided_slice %dot_general3A_5 {offsets = [0, 512], sizes = [24, 512], strides = [1, 1]} : vector<24x1024xf32> to vector<24x512xf32>
    %swap3A_12 = arith.constant 1 : index
    %swap3A_13 = arith.constant 0 : index
    %swap3A_14 = arith.constant 0 : index
    %swap3A_15 = vector.load %arg3[%swap3A_12, %swap3A_13, %swap3A_14] : memref<2x24x512xf32, #tpu.memory_space<vmem>>, vector<1x24x512xf32>
    %swap3A_16 = vector.shape_cast %swap3A_15 : vector<1x24x512xf32> to vector<24x512xf32>
    %swap3A_17 = vector.shape_cast %slice3A_11 : vector<24x512xf32> to vector<1x24x512xf32>
    tpu.vector_store %arg3[%swap3A_12, %swap3A_13, %swap3A_14], %swap3A_17 {strides = array<i32>} : memref<2x24x512xf32, #tpu.memory_space<vmem>>, vector<1x24x512xf32>,
    return
  }
  func.func @transform_0(%arg0: i32) -> (i32, i32) {
    %c0_i32 = arith.constant 0 : i32
    %c0_i32_0 = arith.constant 0 : i32
    return %arg0, %c0_i32 : i32, i32
  }
  func.func @transform_1(%arg0: i32) -> (i32, i32) {
    %c0_i32 = arith.constant 0 : i32
    %c0_i32_0 = arith.constant 0 : i32
    %c0_i32_1 = arith.constant 0 : i32
    return %c0_i32, %c0_i32_0 : i32, i32
  }
  func.func @transform_2(%arg0: i32) -> (i32, i32, i32) {
    %c0_i32 = arith.constant 0 : i32
    %c0_i32_0 = arith.constant 0 : i32
    %c0_i32_1 = arith.constant 0 : i32
    return %arg0, %c0_i32, %c0_i32_0 : i32, i32, i32
  }
}

</mosaic_0001>

<sc_bundles>
// kernel: kernel.4.cloned.1.call-start
scs
__scs_entry_jumppad:
0x0: {  	(pc) =	sbr.rel $0x88, $3  }
0x1: {  	(tag) =	ssettag $0x0;
	lr =	simm.s32 $0x1  }
0x2: {  	[smem:$0x3F9E] =	sst lr;
	_ =	strace $0xD0000000  }
0x3: {  	_ = 	snop  }
0x4: {  	_ = 	snop  }
0x5: {  	_ = 	snop  }
0x6: {  	_ = 	snop  }
0x7: {  	_ = 	snop  }
__scs_overlays_trampoline_lowered:
0x8: {  	[smem:$0x3FAD] =	sst s0  }
0x9: {  	[smem:$0x3FAE] =	sst s1  }
0xa: {  	[smem:$0x3FAF] =	sst s2  }
0xb: {  	[smem:$0x3FB0] =	sst s3  }
0xc: {  	[smem:$0x3FB1] =	sst s4  }
0xd: {  	[smem:$0x3FB2] =	sst s5  }
0xe: {  	[smem:$0x3FB3] =	sst s6  }
0xf: {  	[smem:$0x3FB4] =	sst s7  }
0x10: {  	[smem:$0x3FB5] =	sst s8  }
0x11: {  	[smem:$0x3FB6] =	sst s9;
	s0 =	simm.s32 @!p0 $0x0  }
0x12: {  	s1 =	sld [smem:$0x3F9C];
	s0 =	simm.s32 @p0 $0x1  }
0x13: {  	[smem:$0x3FB7] =	sst s0;
	s0 =	simm.s32 @!p1 $0x0  }
0x14: {  	s2 =	sld [smem:$0x3F9B];
	s0 =	simm.s32 @p1 $0x1  }
0x15: {  	[smem:$0x3FB8] =	sst s0;
	s0 =	simm.s32 @!p2 $0x0  }
0x16: {  	s3 =	sld [smem:$0x3FDB];
	s0 =	simm.s32 @p2 $0x1  }
0x17: {  	s4 =	simm.s32 $0x1BF5;
	[smem:$0x3FBA] =	sst s0  }
0x18: {  	s0 =	sld [smem:$0x3F9D];
	_ =	swait.ge [sflag:s4], $0x0  }
0x19: {  	s7 =	sld [smem:$0x3F9E]  }
0x1a: {  	s8 =	sadd.s32 $0xFFFFE003, lr  }
0x1b: {  	s9 =	sadd.s32 $0xFFFFFEF7, lr;
	s5 =	simm.s32 $0xFFFFFFFF;
	p2 =	slt.u32 s8, $0xFFFFF086  }
0x1c: {  	p1 =	slt.u32 s9, $0xF7A;
	s5 =	simm.s32 @!p2 $0x0  }
0x1d: {  	s5 =	simm.s32 @p1 $0x1;
	p0 =	seq.s32 s7, s2  }
0x1e: {  	s7 =	smul.u32 @!p0 $0xF7A, s2;
	p2 =	seq.s32 @!p0 s5, $0x0  }
0x1f: {  	s9 =	smul.u32 $0xF7A, s1;
	s8 =	simm.s32 @!p0 $0x1BF5;
	p2 =	por !p2, p0  }
0x20: {  	[sflag:s8] =	ssyncset.s32 @!p0 $0xFFFFF086;
	s6 =	sadd.s32 @!p0 s3, s7;
	s7 =	simm.s32 @!p0 $0x108  }
0x21: {  	s3 =	sadd.s32 s3, s9;
	s6 =	sadd.s32 @!p0 $0x88, s6;
	s7 =	simm.s32 @p2 $0x1082  }
0x22: {  	[simem:s7], [sflag:s8] =	dma.local @!p0 [hbm:s6], $0xF7A  }
0x23: {  	s9 =	sor.u32 $0xD0000000, s2;
	s6 =	simm.s32 $0x108;
	_ =	swait.ge @!p0 [sflag:s8], $0x0  }
0x24: {  	s3 =	sadd.s32 $0x88, s3;
	s6 =	simm.s32 @!p1 $0x1082;
	[sflag:s4] =	ssyncset.s32 $0xFFFFF086  }
0x25: {  	[simem:s6], [sflag:s4] =	dma.local [hbm:s3], $0xF7A  }
0x26: {  	[smem:$0x3F9E] =	sst s1;
	(tag) =	ssettag s2;
	_ =	strace s9  }
0x27: {  	s1 =	sld [smem:$0x3FAE]  }
0x28: {  	s2 =	sld [smem:$0x3FAF]  }
0x29: {  	s4 =	sld [smem:$0x3FB1]  }
0x2a: {  	p0 =	seq.s32 s5, $0x0;
	s5 =	sld [smem:$0x3FB2]  }
0x2b: {  	s6 =	sld [smem:$0x3FB3]  }
0x2c: {  	s7 =	sld [smem:$0x3FB4]  }
0x2d: {  	s3 =	simm.s32 $0x108;
	s8 =	sld [smem:$0x3FB5]  }
0x2e: {  	s3 =	simm.s32 @!p0 $0x1082;
	s9 =	sld [smem:$0x3FB6]  }
0x2f: {  	lr =	sadd.s32 s0, s3;
	s0 =	sld [smem:$0x3FAD]  }
0x30: {  	s3 =	sld [smem:$0x3FB0]  }
0x31: {  	[smem:$0x3FB9] =	sst s10  }
0x32: {  	s10 =	sld [smem:$0x3FB7];
	_ =	sdelay $0x3  }
0x33: {  	p0 =	seq.s32 s10, $0x1;
	s10 =	sld [smem:$0x3FB9];
	_ =	sdelay $0x3  }
0x34: {  	[smem:$0x3FB9] =	sst s10  }
0x35: {  	s10 =	sld [smem:$0x3FB8];
	_ =	sdelay $0x3  }
0x36: {  	p1 =	seq.s32 s10, $0x1;
	s10 =	sld [smem:$0x3FB9];
	_ =	sdelay $0x3  }
0x37: {  	[smem:$0x3FB9] =	sst s10  }
0x38: {  	s10 =	sld [smem:$0x3FBA]  }
0x39: {  	_ = 	snop;
	(pc) =	sbr.ind lr, $3  }
0x3a: {  	_ = 	snop  }
0x3b: {  	_ = 	snop  }
0x3c: {  	p2 =	seq.s32 s10, $0x1;
	s10 =	sld [smem:$0x3FB9]  }
0x3d: {  	_ =	shalt  }
0x3e: {  	_ =	shalt  }
0x3f: {  	_ =	shalt  }
0x40: {  	_ =	shalt  }
0x41: {  	_ =	shalt  }
0x42: {  	_ =	shalt  }
0x43: {  	_ =	shalt  }
0x44: {  	_ =	shalt  }
0x45: {  	_ =	shalt  }
0x46: {  	_ =	shalt  }
0x47: {  	_ =	shalt  }
0x48: {  	_ =	shalt  }
0x49: {  	_ =	shalt  }
0x4a: {  	_ =	shalt  }
0x4b: {  	_ =	shalt  }
0x4c: {  	_ =	shalt  }
0x4d: {  	_ =	shalt  }
0x4e: {  	_ =	shalt  }
0x4f: {  	_ =	shalt  }
0x50: {  	_ =	shalt  }
0x51: {  	_ =	shalt  }
0x52: {  	_ =	shalt  }
0x53: {  	_ =	shalt  }
0x54: {  	_ =	shalt  }
0x55: {  	_ =	shalt  }
0x56: {  	_ =	shalt  }
0x57: {  	_ =	shalt  }
0x58: {  	_ =	shalt  }
0x59: {  	_ =	shalt  }
0x5a: {  	_ =	shalt  }
0x5b: {  	_ =	shalt  }
0x5c: {  	_ =	shalt  }
0x5d: {  	_ =	shalt  }
0x5e: {  	_ =	shalt  }
0x5f: {  	_ =	shalt  }
0x60: {  	_ =	shalt  }
0x61: {  	_ =	shalt  }
0x62: {  	_ =	shalt  }
0x63: {  	_ =	shalt  }
0x64: {  	_ =	shalt  }
0x65: {  	_ =	shalt  }
0x66: {  	_ =	shalt  }
0x67: {  	_ =	shalt  }
0x68: {  	_ =	shalt  }
0x69: {  	_ =	shalt  }
0x6a: {  	_ =	shalt  }
0x6b: {  	_ =	shalt  }
0x6c: {  	_ =	shalt  }
0x6d: {  	_ =	shalt  }
0x6e: {  	_ =	shalt  }
0x6f: {  	_ =	shalt  }
0x70: {  	_ =	shalt  }
0x71: {  	_ =	shalt  }
0x72: {  	_ =	shalt  }
0x73: {  	_ =	shalt  }
0x74: {  	_ =	shalt  }
0x75: {  	_ =	shalt  }
0x76: {  	_ =	shalt  }
0x77: {  	_ =	shalt  }
0x78: {  	_ =	shalt  }
0x79: {  	_ =	shalt  }
0x7a: {  	_ =	shalt  }
0x7b: {  	_ =	shalt  }
0x7c: {  	_ =	shalt  }
0x7d: {  	_ =	shalt  }
0x7e: {  	_ =	shalt  }
0x7f: {  	_ =	shalt  }
0x80: {  	_ =	shalt  }
0x81: {  	_ =	shalt  }
0x82: {  	_ =	shalt  }
0x83: {  	_ =	shalt  }
0x84: {  	_ =	shalt  }
0x85: {  	_ =	shalt  }
0x86: {  	_ =	shalt  }
0x87: {  	_ =	shalt  }
.Lfunc_end0:
.L_simem_size_0:
called_computation_lowered:
.L_overlay_start_0:
0x88: {  	s2 =	sld [smem:$0x3FD9]  }
0x89: {  	s3 =	sld [smem:$0x3FFE];
	_ =	sdelay $0x1  }
0x8a: {  	s1 =	srdreg.scid  }
0x8b: {  	s0 =	sand.u32 $0x1, s1  }
0x8c: {  	s14 =	sshll.u32 s0, $0xA;
	s2 =	sadd.s32 s3, s2  }
0x8d: {  	s2 =	sadd.s32 s2, s14  }
0x8e: {  	[smem:$0x3FC5] =	sst s2  }
0x8f: {  	_ = 	snop  }
0x90: {  	s2 =	sld [smem:$0x3FD0];
	_ =	sdelay $0x2  }
0x91: {  	s15 =	simm.s32 $0xA;
	s4 =	simm.s32 $0x10  }
0x92: {  	[smem:s4], [sflag:s15] =	dma.local [hbm:s2], $0x1  }
0x93: {  	_ =	swait.eq [sflag:s15], $0x1  }
0x94: {  	[sflag:s15] =	ssyncset.done $0x0  }
0x95: {  	[sflag:s15] =	ssyncadd.s32 $0xFFFFFFFF  }
0x96: {  	s16 =	sld [smem:$0x12];
	(tm) =	ssettm $0x1  }
0x97: {  	s17 =	sld [smem:$0x3FFB];
	_ =	sdelay $0x3  }
0x98: {  	_ =	strace s17  }
0x99: {  	s3 =	sld [smem:$0x3FFC];
	_ =	sdelay $0x3  }
0x9a: {  	_ =	strace s3  }
0x9b: {  	s3 =	sld [smem:$0x3FFD];
	_ =	sdelay $0x3  }
0x9c: {  	_ =	strace s3  }
0x9d: {  	_ =	strace $0x8FFFFFFF  }
0x9e: {  	s18 =	sld [smem:$0x3FDB];
	_ =	sdelay $0x1  }
0x9f: {  	s19 =	simm.s32 $_scs_section_size  }
0xa0: {  	s5 =	simm.s32 $_size__tile_overlayer_lowered;
	s6 =	simm.s32 $_tile_overlayer_lowered  }
0xa1: {  	s22 =	simm.s32 $0x1BFF;
	s21 =	sshll.u32 s6, $0x1;
	s3 =	sadd.s32 s19, s18  }
0xa2: {  	s7 =	simm.s32 $0x0;
	s20 =	sshll.u32 s5, $0x1;
	s5 =	sadd.s32 s21, s3  }
0xa3: {  	[timem:s7], [sflag:s22] =	dma.local [hbm:s5], s20  }
0xa4: {  	_ =	swait.ge [sflag:s22], s20  }
0xa5: {  	s4 =	ssub.s32 $0x0, s20;
	[sflag:s22] =	ssyncset.done $0x0  }
0xa6: {  	[sflag:s22] =	ssyncadd.s32 s4;
	_ =	sdelay $0x1  }
0xa7: {  	s23 =	simm.s32 $0x1B8B  }
0xa8: {  	_ =	swait.ge [sflag:s23], $0x1  }
0xa9: {  	[sflag:s23] =	ssyncset.done $0x0  }
0xaa: {  	s25 =	simm.s32 $0x1B8E;
	s24 =	sld [smem:$0x3FFE];
	[sflag:s23] =	ssyncadd.s32 $0xFFFFFFFF  }
0xab: {  	s26 =	simm.s32 $execute0_lowered;
	[smem:$0x3FD2] =	sst s25  }
0xac: {  	s5 =	sshll.u32 s26, $0x1;
	_ =	strace $0x80000046;
	[dreg:$0x1] =	wrdreg $0xFFFFFFFF  }
0xad: {  	s28 =	simm.s32 $_size_execute0_lowered;
	s3 =	sadd.s32 s3, s5;
	[dreg:$0x0] =	wrdreg $0x0  }
0xae: {  	s5 =	sshll.u32 s28, $0x1;
	[dreg:$0x2] =	wrdreg s3  }
0xaf: {  	[dreg:$0x3] =	wrdreg s5  }
0xb0: {  	[dreg:$0x4] =	wrdreg $0xC0  }
0xb1: {  	_ =	task [dreg:s7], $0x5FFFF  }
0xb2: {  	[dreg:$0x1] =	wrdreg $0xFFFFFFFF  }
0xb3: {  	[dreg:$0x0] =	wrdreg $0x60  }
0xb4: {  	[dreg:$0x2] =	wrdreg s24  }
0xb5: {  	[dreg:$0x3] =	wrdreg s16  }
0xb6: {  	[dreg:$0x4] =	wrdreg $0x9  }
0xb7: {  	_ =	task.clear_ibuf [dreg:s7], $0x5FFFF;
	_ =	strace $0x90000046  }
0xb8: {  	s29 =	simm.s32 $0x9;
	_ =	strace $0x80000048  }
0xb9: {  	_ =	swait.ge [sflag:s29], $0x1  }
0xba: {  	[sflag:s29] =	ssyncadd.s32 $0xFFFFFFFF  }
0xbb: {  	_ =	strace $0x90000048  }
0xbc: {  	_ =	sfence  }
0xbd: {  	s30 =	sld [smem:$0x0];
	_ =	sdelay $0x2  }
0xbe: {  	s31 =	sshll.u32 s1, $0xD;
	s1 =	sshrl.u32 s1, $0x2  }
0xbf: {  	s3 =	sand.u32 $0x4000, s31;
	s1 =	sadd.s32 s1, s30  }
0xc0: {  	s0 =	sor.u32 s3, s0;
	s1 =	sshll.u32 s1, $0x11  }
0xc1: {  	s0 =	sor.u32 s1, s0  }
0xc2: {  	s0 =	sadd.s32 $0x8F2B, s0  }
0xc3: {  	[sflag:s0] =	ssyncadd.remote.s32 $0x1  }
0xc4: {  	_ =	sfence.sel $0xFFFF  }
0xc5: {  	[dreg:$0x0] =	wrdreg $0xFFFFFFFF;
	(pc) =	sbr.abs _section_cstart, $3  }
0xc6: {  	[dreg:$0x1] =	wrdreg $0xFFFFFFFF  }
0xc7: {  	_ =	task.clear_ibuf [dreg:s7], $0x2FFFF;
	_ =	strace $0x9FFFFFFF  }
0xc8: {  	(tm) =	ssettm $0x7FFFFFFF  }
0xc9: {  	_ =	shalt  }
tec
execute0_lowered:
.L_overlay_start_1:
0x0: {  	(tag) =	ssettag $0x1  }
0x1: {  	s0 =	rddreg [dreg:$0x0]  }
0x2: {  	s1 =	rddreg [dreg:$0x1];
	s7 =	simm.s32 $0x0  }
0x3: {  	s2 =	srdreg.scid;
	s5 =	simm.s32 $0x6080;
	[smem:$0x7FF] =	sst s7  }
0x4: {  	s16 =	simm.s32 $0x6880;
	_ =	strace $0x80000047;
	[dreg:$0x3] =	wrdreg s5  }
0x5: {  	s3 =	stileid.u32;
	s17 =	simm.s32 $0x6100;
	[dreg:$0x4] =	wrdreg s16  }
0x6: {  	s18 =	simm.s32 $0x6900;
	s19 =	simm.s32 $0x6180;
	[dreg:$0x5] =	wrdreg s17  }
0x7: {  	s20 =	simm.s32 $0x6980;
	s21 =	simm.s32 $0x6200;
	[dreg:$0x6] =	wrdreg s18  }
0x8: {  	s22 =	simm.s32 $0x6A00;
	s24 =	simm.s32 $0x6280;
	[dreg:$0x7] =	wrdreg s19  }
0x9: {  	s25 =	simm.s32 $0x6A80;
	s26 =	simm.s32 $0x6300;
	[dreg:$0x8] =	wrdreg s20  }
0xa: {  	s28 =	simm.s32 $0x6B00;
	s30 =	simm.s32 $0x6380;
	[dreg:$0x9] =	wrdreg s21  }
0xb: {  	s31 =	simm.s32 $0x6B80;
	s8 =	simm.s32 $0x6000;
	[dreg:$0xa] =	wrdreg s22  }
0xc: {  	s10 =	simm.s32 $0x6800;
	s11 =	simm.s32 $0x6400;
	[dreg:$0xb] =	wrdreg s24  }
0xd: {  	s12 =	simm.s32 $0x6C00;
	s13 =	simm.s32 $0x6480;
	[dreg:$0xc] =	wrdreg s25  }
0xe: {  	s14 =	simm.s32 $0x6C80;
	s15 =	simm.s32 $0x6500;
	[dreg:$0xd] =	wrdreg s26  }
0xf: {  	s2 =	sand.u32 $0x1, s2;
	s3 =	sshll.u32 s3, $0x1;
	[dreg:$0xe] =	wrdreg s28  }
0x10: {  	s3 =	sor.u32 s2, s3;
	s2 =	ssub.s32 $0x2, s2;
	[dreg:$0xf] =	wrdreg s30  }
0x11: {  	[dreg:$0x10] =	wrdreg s31;
	s16 =	simm.s32 $0x6D00;
	s17 =	simm.s32 $0x6580  }
0x12: {  	s18 =	simm.s32 $0x6D80;
	s19 =	simm.s32 $0x6600;
	s20 =	simm.s32 $0x6E00  }
0x13: {  	s21 =	simm.s32 $0x6680;
	s22 =	simm.s32 $0x6E80;
	s24 =	simm.s32 $0x6F00  }
0x14: {  	s4 =	smul.u32 $0x600, s3;
	s3 =	sshll.u32 s3, $0x8;
	s6 =	sshrl.u32 s2, $0x1  }
0x15: {  	s25 =	simm.s32 $0x6780;
	s2 =	ssub.s32 s2, s6;
	s1 =	sadd.s32 s1, s3  }
0x16: {  	s4 =	sadd.s32 s4, s0;
	[dreg:$0x13] =	wrdreg s1;
	s29 =	smax.u32 s2, $0x1  }
0x17: {  	s26 =	simm.s32 $0x6F80;
	s23 =	sadd.s32 $0x400, s4;
	[dreg:$0x15] =	wrdreg s29  }
0x18: {  	s0 =	sadd.s32 s3, s0;
	s4 =	sadd.s32 $0xC400, s4;
	[dreg:$0x11] =	wrdreg s23  }
0x19: {  	v0 =	vimm.f32 $0.0e+00;
	s1 =	simm.s32 $0x1;
	s0 =	sadd.s32 $0x18400, s0;
	[dreg:$0x12] =	wrdreg s4  }
0x1a: {  	v1 =	vimm.s32 $0x3;
	v2 =	vimm.s32 $0x0;
	v3 =	vimm.f32 $1.000000000e+00;
	s2 =	simm.s32 $0x0;
	[dreg:$0x14] =	wrdreg s0;
	s23 =	simm.s32 $0x6700  }
.LBB2_1:
0x1b: {  	[dreg:$0x16] =	wrdreg s2  }
0x1c: {  	s0 =	rddreg [dreg:$0x11]  }
0x1d: {  	[tilespmem:s7], [sflag:$0x1] =	stream.linear.gather [hbm4b:s0+s7], $0x3000, $0x38;
	[tilespmem:$0x7000] =	vst v63  }
0x1e: {  	_ =	swait.ge [sflag:s1], $0x3000  }
0x1f: {  	[sflag:s1] =	ssyncset.done $0x0  }
0x20: {  	[sflag:s1] =	ssyncadd.s32 $0xFFFFD000  }
0x21: {  	[tilespmem:$0x6000] =	vst v0  }
0x22: {  	[tilespmem:$0x6800] =	vst v0  }
0x23: {  	[tilespmem:$0x6080] =	vst v0  }
0x24: {  	[tilespmem:$0x6880] =	vst v0  }
0x25: {  	[tilespmem:$0x6100] =	vst v0  }
0x26: {  	[tilespmem:$0x6900] =	vst v0  }
0x27: {  	[tilespmem:$0x6180] =	vst v0  }
0x28: {  	[tilespmem:$0x6980] =	vst v0  }
0x29: {  	[tilespmem:$0x6200] =	vst v0  }
0x2a: {  	[tilespmem:$0x6A00] =	vst v0  }
0x2b: {  	[tilespmem:$0x6280] =	vst v0  }
0x2c: {  	[tilespmem:$0x6A80] =	vst v0  }
0x2d: {  	[tilespmem:$0x6300] =	vst v0  }
0x2e: {  	[tilespmem:$0x6B00] =	vst v0  }
0x2f: {  	[tilespmem:$0x6380] =	vst v0  }
0x30: {  	[tilespmem:$0x6B80] =	vst v0  }
0x31: {  	[tilespmem:$0x6400] =	vst v0  }
0x32: {  	[tilespmem:$0x6C00] =	vst v0  }
0x33: {  	[tilespmem:$0x6480] =	vst v0  }
0x34: {  	[tilespmem:$0x6C80] =	vst v0  }
0x35: {  	[tilespmem:$0x6500] =	vst v0  }
0x36: {  	[tilespmem:$0x6D00] =	vst v0  }
0x37: {  	[tilespmem:$0x6580] =	vst v0  }
0x38: {  	[tilespmem:$0x6D80] =	vst v0  }
0x39: {  	[tilespmem:$0x6600] =	vst v0  }
0x3a: {  	[tilespmem:$0x6E00] =	vst v0  }
0x3b: {  	[tilespmem:$0x6680] =	vst v0  }
0x3c: {  	[tilespmem:$0x6E80] =	vst v0  }
0x3d: {  	[tilespmem:$0x6700] =	vst v0  }
0x3e: {  	[tilespmem:$0x6F00] =	vst v0  }
0x3f: {  	s5 =	sand.u32 $0x70, s7;
	s6 =	sand.u32 $0xC00, s7;
	[tilespmem:$0x6780] =	vst v0  }
0x40: {  	s30 =	sor.u32 s5, s6;
	[tilespmem:$0x6F80] =	vst v0  }
0x41: {  	s9 =	sor.u32 s7, s7;
	v5 =	vld [tilespmem:s30+$0x100]  }
0x42: {  	s0 =	sor.u32 $0x1380, s9;
	v6 =	vld [tilespmem:s30+$0x80]  }
0x43: {  	v7 =	vld [tilespmem:s0+$0x0]  }
0x44: {  	v8 =	vld [tilespmem:s30+$0x200]  }
0x45: {  	s29 =	sand.u32 $0xFFFFFC00, s7;
	v9 =	vld [tilespmem:s30+$0x1300]  }
0x46: {  	s1 =	sadd.s32 $0x0, s29;
	v4 =	vld [tilespmem:s30+$0x2080]  }
0x47: {  	s31 =	sor.u32 $0x2180, s1;
	v10 =	vld [tilespmem:s30+$0x2000]  }
0x48: {  	s28 =	sor.u32 $0x180, s1;
	v11 =	vld [tilespmem:s31+$0x0]  }
0x49: {  	v12 =	vld [tilespmem:s28+$0x0]  }
0x4a: {  	v13 =	vld [tilespmem:s30+$0x2100]  }
0x4b: {  	v14 =	vld [tilespmem:s30+$0x1000]  }
0x4c: {  	v15 =	vld [tilespmem:s30+$0x300]  }
0x4d: {  	v16 =	vld [tilespmem:s30+$0x1080]  }
0x4e: {  	v17 =	vld [tilespmem:s30+$0x1100]  }
0x4f: {  	v18 =	vld [tilespmem:s30+$0x280];
	v19 =	vmax.f32 v10, v4;
	v11 =	vmax.f32 v13, v11  }
0x50: {  	v20 =	vld [tilespmem:s30+$0x1200];
	v11 =	vmax.f32 v19, v11  }
0x51: {  	s1 =	sor.u32 $0x1180, s1;
	v19 =	vld [tilespmem:s30+$0x1280];
	vm0 =	veq.f32 v13, v11  }
0x52: {  	s3 =	sor.u32 $0x380, s9;
	v13 =	vld [tilespmem:s1+$0x0];
	vm1 =	veq.f32 v4, v11;
	v4 =	vsel vm0, $0x2, v1  }
0x53: {  	vm2 =	vne.f32 v10, v11;
	v10 =	vld [tilespmem:s3+$0x0];
	v4 =	vsel vm1, $0x1, v4  }
0x54: {  	v11 =	vld [tilespmem:s30+$0x0];
	v4 =	vnsel vm2, $0x0, v4  }
0x55: {  	vm1 =	vmand vm2, vm1;
	vm0 =	veq.s32 v4, $0x2  }
0x56: {  	v14 =	vsel vm0, v14, v20;
	v16 =	vsel vm0, v16, v19;
	v9 =	vsel vm0, v17, v9  }
0x57: {  	v7 =	vsel vm0, v13, v7;
	v8 =	vsel vm1, v8, v14;
	v14 =	vsel vm1, v18, v16  }
0x58: {  	v9 =	vsel vm1, v15, v9;
	v7 =	vsel vm1, v10, v7;
	v6 =	vsel vm2, v14, v6  }
0x59: {  	v8 =	vsel vm2, v8, v11;
	v5 =	vsel vm2, v9, v5;
	v7 =	vsel vm2, v7, v12  }
0x5a: {  	v9 =	vmax.f32 v8, v6;
	v10 =	vmax.f32 v5, v7  }
0x5b: {  	v9 =	vmax.f32 v9, v10  }
0x5c: {  	v10 =	vsub.f32 v8, v9  }
0x5d: {  	v11 =	vsub.f32 v6, v9  }
0x5e: {  	v10 =	vmul.f32 $1.442695020e+00, v10  }
0x5f: {  	v12 =	vsub.f32 v5, v9;
	v11 =	vmul.f32 $1.442695020e+00, v11  }
0x60: {  	(erf) = vpow2.f32 v10  }
0x61: {  	v12 =	vmul.f32 $1.442695020e+00, v12;
	v10 =	vsub.f32 v7, v9;
	(erf) = vpow2.f32 v11;
	_ =	sdelay $0x1  }
0x62: {  	vm3 =	veq.f32 v5, v9;
	v10 =	vmul.f32 $1.442695020e+00, v10;
	(erf) = vpow2.f32 v12  }
0x63: {  	vm4 =	veq.f32 v6, v9;
	v11 =	vsel vm3, $0x2, v1  }
0x64: {  	vm3 =	vne.f32 v8, v9;
	v11 =	vsel vm4, $0x1, v11;
	(erf) = vpow2.f32 v10  }
0x65: {  	v12 =	vmax.f32 v8, $-3.402823470e+38;
	vm5 =	vmand vm3, vm4;
	v11 =	vnsel vm3, $0x0, v11  }
0x66: {  	v12 =	vnsel vm3, $0xFF7FFFFF, v12;
	v10 =	vsel vm5, $0xFF7FFFFF, v6;
	vm4 =	veq.s32 v11, $0x2  }
0x67: {  	vm6 =	veq.s32 v11, $0x3;
	v10 =	vmax.f32 v12, v10;
	v12 =	vsel vm4, $0xFF7FFFFF, v5  }
0x68: {  	v22 =	vshll.u32 v4, $0x2;
	v13 =	vsel vm6, $0xFF7FFFFF, v7;
	v10 =	vmax.f32 v10, v12;
	v14 =	vpop (erf)  }
0x69: {  	vm7 =	vne.s32 v11, $0x3;
	vm9 =	vne.s32 v11, $0x2;
	v12 =	vmax.f32 v10, v13;
	v29 =	vpop (erf)  }
0x6a: {  	vm8 =	veq.f32 v5, v12;
	vm10 =	veq.f32 v7, v12;
	v7 =	vadd.f32 v29, v14  }
0x6b: {  	vm12 =	vne.f32 v6, v12;
	vm13 =	veq.f32 v8, v12;
	vm7 =	vmand vm7, vm10;
	v20 =	vpop (erf)  }
0x6c: {  	vm8 =	vmand vm9, vm8;
	v6 =	vsel vm7, $0x3, v2;
	v7 =	vadd.f32 v7, v20  }
0x6d: {  	vm9 =	vmor vm5, vm12;
	vm7 =	vmand vm3, vm13;
	v6 =	vsel vm8, $0x2, v6;
	v24 =	vpop (erf)  }
0x6e: {  	vm14 =	vmor vm7, vm9;
	v6 =	vnsel vm9, $0x1, v6;
	v7 =	vadd.f32 v7, v24  }
0x6f: {  	v8 =	vsel vm14, $0x0, v3;
	v30 =	vsel vm7, $0x0, v6;
	v6 =	vsel vm5, $0x3F800000, v0  }
0x70: {  	v9 =	vsub.f32 v12, v9;
	v6 =	vadd.f32 v8, v6;
	(erf) = vrcp.f32 v7  }
0x71: {  	v5 =	vor.u32 v22, v11;
	v11 =	vsel vm6, $0x3F800000, v0;
	vm15 =	veq.s32 v30, $0x3  }
0x72: {  	v9 =	vmul.f32 $1.442695020e+00, v9;
	v13 =	vsel vm15, $0x3F800000, v0;
	v25 =	vsel vm2, $0x0, v6  }
0x73: {  	v19 =	vnsel vm1, $0x0, v6;
	v7 =	vsel vm3, $0x0, v3;
	vm3 =	veq.s32 v30, $0x0  }
0x74: {  	v16 =	vnsel vm0, $0x0, v6;
	v8 =	vsel vm3, $0x3F800000, v0;
	vm3 =	veq.s32 v30, $0x2  }
0x75: {  	v10 =	vadd.f32 v8, v7;
	v7 =	vsel vm4, $0x3F800000, v0;
	v8 =	vsel vm3, $0x3F800000, v0  }
0x76: {  	(erf) = vpow2.f32 v9;
	v9 =	vor.u32 v22, v30;
	v8 =	vadd.f32 v8, v7  }
0x77: {  	v7 =	vadd.f32 v13, v11;
	v27 =	vsel vm2, $0x0, v10;
	v21 =	vnsel vm1, $0x0, v10  }
0x78: {  	v15 =	vnsel vm0, $0x0, v10;
	v26 =	vsel vm2, $0x0, v8;
	v18 =	vnsel vm1, $0x0, v8  }
0x79: {  	v23 =	vsel vm2, $0x0, v7;
	v17 =	vnsel vm1, $0x0, v7;
	v13 =	vnsel vm0, $0x0, v8;
	v28 =	vpop (erf)  }
0x7a: {  	s4 =	simm.s32 $0x10;
	s5 =	simm.s32 $0x0;
	v11 =	vnsel vm0, $0x0, v7;
	v14 =	vmul.f32 v28, v14;
	v12 =	vmul.f32 v28, v29  }
.LBB2_2:
0x7b: {  	_ = 	snop  }
0x7c: {  	v22 =	vmul.f32 v28, v20;
	v20 =	vmul.f32 v28, v24;
	v24 =	vsel vm2, $0x0, v14  }
0x7d: {  	[tilespmem:s30+$0x3000] =	vst v24  }
0x7e: {  	[tilespmem:s8+$0x0] =	vst.add.f32.msk $0xffff, v24  }
0x7f: {  	[tilespmem:s10+$0x0] =	vst.add.f32.msk $0xffff, v27;
	v27 =	vsel vm2, $0x0, v12  }
0x80: {  	s2 =	rddreg [dreg:$0x3];
	[tilespmem:s30+$0x3080] =	vst v27  }
0x81: {  	s7 =	rddreg [dreg:$0x4];
	[tilespmem:s2+$0x0] =	vst.add.f32.msk $0xffff, v27  }
0x82: {  	[tilespmem:s7+$0x0] =	vst.add.f32.msk $0xffff, v25;
	v25 =	vsel vm2, $0x0, v22  }
0x83: {  	s2 =	rddreg [dreg:$0x5];
	[tilespmem:s30+$0x3100] =	vst v25  }
0x84: {  	s8 =	rddreg [dreg:$0x6];
	[tilespmem:s2+$0x0] =	vst.add.f32.msk $0xffff, v25  }
0x85: {  	v25 =	vsel vm2, $0x0, v20;
	[tilespmem:s8+$0x0] =	vst.add.f32.msk $0xffff, v26  }
0x86: {  	s2 =	rddreg [dreg:$0x7];
	[tilespmem:s28+$0x3000] =	vst v25  }
0x87: {  	s5 =	sadd.s32 $0x80, s5;
	s6 =	smov.u32 s4;
	s8 =	rddreg [dreg:$0x8];
	[tilespmem:s2+$0x0] =	vst.add.f32.msk $0xffff, v25  }
0x88: {  	s9 =	sand.u32 $0x70, s6;
	s29 =	sand.u32 $0xC00, s5;
	[tilespmem:s8+$0x0] =	vst.add.f32.msk $0xffff, v23;
	v23 =	vnsel vm1, $0x0, v14  }
0x89: {  	s7 =	sor.u32 s9, s29;
	s9 =	sand.u32 $0xFFFFFC00, s5;
	s29 =	rddreg [dreg:$0x9];
	[tilespmem:s30+$0x3200] =	vst v23  }
0x8a: {  	s28 =	sadd.s32 s9, s6;
	s9 =	rddreg [dreg:$0xa];
	[tilespmem:s29+$0x0] =	vst.add.f32.msk $0xffff, v23  }
0x8b: {  	[tilespmem:s9+$0x0] =	vst.add.f32.msk $0xffff, v21;
	v21 =	vnsel vm1, $0x0, v12  }
0x8c: {  	s29 =	rddreg [dreg:$0xb];
	[tilespmem:s30+$0x3280] =	vst v21  }
0x8d: {  	s9 =	rddreg [dreg:$0xc];
	[tilespmem:s29+$0x0] =	vst.add.f32.msk $0xffff, v21  }
0x8e: {  	[tilespmem:s9+$0x0] =	vst.add.f32.msk $0xffff, v19;
	v19 =	vnsel vm1, $0x0, v22  }
0x8f: {  	s29 =	rddreg [dreg:$0xd];
	[tilespmem:s30+$0x3300] =	vst v19  }
0x90: {  	s8 =	rddreg [dreg:$0xe];
	[tilespmem:s29+$0x0] =	vst.add.f32.msk $0xffff, v19  }
0x91: {  	[tilespmem:s8+$0x0] =	vst.add.f32.msk $0xffff, v18;
	v18 =	vnsel vm1, $0x0, v20  }
0x92: {  	s29 =	rddreg [dreg:$0xf];
	[tilespmem:s3+$0x3000] =	vst v18  }
0x93: {  	s8 =	rddreg [dreg:$0x10];
	[tilespmem:s29+$0x0] =	vst.add.f32.msk $0xffff, v18  }
0x94: {  	[tilespmem:s8+$0x0] =	vst.add.f32.msk $0xffff, v17;
	v17 =	vnsel vm0, $0x0, v14  }
0x95: {  	[tilespmem:s30+$0x4000] =	vst v17  }
0x96: {  	[tilespmem:s11+$0x0] =	vst.add.f32.msk $0xffff, v17  }
0x97: {  	[tilespmem:s12+$0x0] =	vst.add.f32.msk $0xffff, v15;
	v15 =	vnsel vm0, $0x0, v12  }
0x98: {  	[tilespmem:s30+$0x4080] =	vst v15  }
0x99: {  	[tilespmem:s13+$0x0] =	vst.add.f32.msk $0xffff, v15  }
0x9a: {  	v15 =	vnsel vm0, $0x0, v22;
	[tilespmem:s14+$0x0] =	vst.add.f32.msk $0xffff, v16  }
0x9b: {  	[tilespmem:s30+$0x4100] =	vst v15  }
0x9c: {  	[tilespmem:s15+$0x0] =	vst.add.f32.msk $0xffff, v15  }
0x9d: {  	[tilespmem:s16+$0x0] =	vst.add.f32.msk $0xffff, v13;
	v13 =	vnsel vm0, $0x0, v20  }
0x9e: {  	[tilespmem:s1+$0x3000] =	vst v13  }
0x9f: {  	v24 =	vpop (erf);
	vm0 =	veq.s32 v4, $0x3;
	[tilespmem:s17+$0x0] =	vst.add.f32.msk $0xffff, v13  }
0xa0: {  	v27 =	vadd.f32 $1.000000000e+00, v24;
	v4 =	vnsel vm0, $0x0, v14;
	[tilespmem:s18+$0x0] =	vst.add.f32.msk $0xffff, v11  }
0xa1: {  	[tilespmem:s30+$0x4200] =	vst v4  }
0xa2: {  	(erf) = vrcp.f32 v27;
	[tilespmem:s19+$0x0] =	vst.add.f32.msk $0xffff, v4;
	v4 =	vnsel vm0, $0x0, v10  }
0xa3: {  	[tilespmem:s20+$0x0] =	vst.add.f32.msk $0xffff, v4;
	v4 =	vnsel vm0, $0x0, v12  }
0xa4: {  	[tilespmem:s30+$0x4280] =	vst v4  }
0xa5: {  	[tilespmem:s21+$0x0] =	vst.add.f32.msk $0xffff, v4;
	v4 =	vnsel vm0, $0x0, v6  }
0xa6: {  	[tilespmem:s22+$0x0] =	vst.add.f32.msk $0xffff, v4;
	v4 =	vnsel vm0, $0x0, v22  }
0xa7: {  	[tilespmem:s30+$0x4300] =	vst v4  }
0xa8: {  	[tilespmem:s23+$0x0] =	vst.add.f32.msk $0xffff, v4;
	v4 =	vnsel vm0, $0x0, v8  }
0xa9: {  	[tilespmem:s24+$0x0] =	vst.add.f32.msk $0xffff, v4;
	v4 =	vnsel vm0, $0x0, v20  }
0xaa: {  	[tilespmem:s0+$0x3000] =	vst v4  }
0xab: {  	v6 =	vpop (erf);
	[tilespmem:s25+$0x0] =	vst.add.f32.msk $0xffff, v4;
	v4 =	vnsel vm0, $0x0, v7  }
0xac: {  	v7 =	vmul.f32 v6, v24;
	[tilespmem:s26+$0x0] =	vst.add.f32.msk $0xffff, v4  }
0xad: {  	v4 =	vcvt.s32.f32 v5;
	[tilespmem:s30+$0x5000] =	vst v6  }
0xae: {  	v5 =	vcvt.s32.f32 v9;
	[tilespmem:s30+$0x5080] =	vst v7  }
0xaf: {  	[tilespmem:s30+$0x5100] =	vst v4  }
0xb0: {  	s30 =	smov.u32 s7;
	[tilespmem:s31+$0x3000] =	vst v5  }
0xb1: {  	s29 =	sor.u32 s6, s5;
	v5 =	vld [tilespmem:s30+$0x100]  }
0xb2: {  	s0 =	sor.u32 $0x1380, s29;
	v6 =	vld [tilespmem:s30+$0x80]  }
0xb3: {  	v7 =	vld [tilespmem:s0+$0x0]  }
0xb4: {  	v8 =	vld [tilespmem:s30+$0x200]  }
0xb5: {  	v9 =	vld [tilespmem:s30+$0x1300]  }
0xb6: {  	s2 =	sor.u32 $0x2180, s28;
	v4 =	vld [tilespmem:s30+$0x2080]  }
0xb7: {  	s31 =	smov.u32 s2;
	v10 =	vld [tilespmem:s30+$0x2000]  }
0xb8: {  	s9 =	sor.u32 $0x1180, s28;
	s28 =	sor.u32 $0x180, s28;
	v11 =	vld [tilespmem:s31+$0x0]  }
0xb9: {  	v12 =	vld [tilespmem:s28+$0x0]  }
0xba: {  	v13 =	vld [tilespmem:s30+$0x2100]  }
0xbb: {  	v14 =	vld [tilespmem:s30+$0x1000]  }
0xbc: {  	v15 =	vld [tilespmem:s30+$0x300]  }
0xbd: {  	v16 =	vld [tilespmem:s30+$0x1080]  }
0xbe: {  	v17 =	vld [tilespmem:s30+$0x1100]  }
0xbf: {  	v18 =	vld [tilespmem:s30+$0x280];
	v19 =	vmax.f32 v10, v4;
	v11 =	vmax.f32 v13, v11  }
0xc0: {  	v20 =	vld [tilespmem:s30+$0x1200];
	v11 =	vmax.f32 v19, v11  }
0xc1: {  	s1 =	smov.u32 s9;
	v19 =	vld [tilespmem:s30+$0x1280];
	vm0 =	veq.f32 v13, v11  }
0xc2: {  	s3 =	sor.u32 $0x380, s29;
	vm2 =	vne.f32 v10, v11;
	v10 =	vld [tilespmem:s1+$0x0];
	vm1 =	veq.f32 v4, v11;
	v4 =	vsel vm0, $0x2, v1  }
0xc3: {  	v11 =	vld [tilespmem:s3+$0x0];
	v4 =	vsel vm1, $0x1, v4  }
0xc4: {  	v13 =	vld [tilespmem:s30+$0x0];
	v4 =	vnsel vm2, $0x0, v4  }
0xc5: {  	vm1 =	vmand vm2, vm1;
	vm0 =	veq.s32 v4, $0x2  }
0xc6: {  	v14 =	vsel vm0, v14, v20;
	v16 =	vsel vm0, v16, v19;
	v9 =	vsel vm0, v17, v9  }
0xc7: {  	v7 =	vsel vm0, v10, v7;
	v8 =	vsel vm1, v8, v14;
	v14 =	vsel vm1, v18, v16  }
0xc8: {  	v9 =	vsel vm1, v15, v9;
	v7 =	vsel vm1, v11, v7;
	v6 =	vsel vm2, v14, v6  }
0xc9: {  	v8 =	vsel vm2, v8, v13;
	v9 =	vsel vm2, v9, v5;
	v7 =	vsel vm2, v7, v12  }
0xca: {  	v5 =	vmax.f32 v8, v6;
	v10 =	vmax.f32 v9, v7  }
0xcb: {  	v12 =	vmax.f32 v5, v10  }
0xcc: {  	v5 =	vsub.f32 v8, v12  }
0xcd: {  	v10 =	vsub.f32 v6, v12  }
0xce: {  	v5 =	vmul.f32 $1.442695020e+00, v5  }
0xcf: {  	v13 =	vsub.f32 v9, v12;
	v10 =	vmul.f32 $1.442695020e+00, v10  }
0xd0: {  	(erf) = vpow2.f32 v5  }
0xd1: {  	v14 =	vsub.f32 v7, v12;
	v13 =	vmul.f32 $1.442695020e+00, v13;
	(erf) = vpow2.f32 v10;
	_ =	sdelay $0x1  }
0xd2: {  	vm4 =	veq.f32 v9, v12;
	v14 =	vmul.f32 $1.442695020e+00, v14;
	(erf) = vpow2.f32 v13  }
0xd3: {  	vm6 =	veq.f32 v6, v12;
	v15 =	vsel vm4, $0x2, v1  }
0xd4: {  	vm3 =	vne.f32 v8, v12;
	v5 =	vsel vm6, $0x1, v15;
	(erf) = vpow2.f32 v14  }
0xd5: {  	v11 =	vmax.f32 v8, $-3.402823470e+38;
	vm5 =	vmand vm3, vm6;
	v10 =	vnsel vm3, $0x0, v5  }
0xd6: {  	v11 =	vnsel vm3, $0xFF7FFFFF, v11;
	v16 =	vsel vm5, $0xFF7FFFFF, v6;
	vm4 =	veq.s32 v10, $0x2  }
0xd7: {  	v5 =	vmax.f32 v11, v16;
	vm14 =	veq.s32 v10, $0x3;
	v11 =	vsel vm4, $0xFF7FFFFF, v9  }
0xd8: {  	v22 =	vshll.u32 v4, $0x2;
	v13 =	vsel vm14, $0xFF7FFFFF, v7;
	v11 =	vmax.f32 v5, v11;
	v14 =	vpop (erf)  }
0xd9: {  	vm7 =	vne.s32 v10, $0x3;
	vm8 =	vne.s32 v10, $0x2;
	v11 =	vmax.f32 v11, v13;
	v29 =	vpop (erf)  }
0xda: {  	v5 =	vor.u32 v22, v10;
	vm10 =	veq.f32 v8, v11;
	v8 =	vadd.f32 v29, v14  }
0xdb: {  	v13 =	vsel vm14, $0x3F800000, v0;
	vm15 =	veq.f32 v9, v11;
	vm9 =	veq.f32 v7, v11;
	v20 =	vpop (erf)  }
0xdc: {  	vm13 =	vne.f32 v6, v11;
	v12 =	vsub.f32 v11, v12;
	v8 =	vadd.f32 v8, v20  }
0xdd: {  	vm6 =	vmand vm8, vm15;
	vm7 =	vmand vm7, vm9;
	vm12 =	vmand vm3, vm10;
	v24 =	vpop (erf)  }
0xde: {  	vm14 =	vmor vm5, vm13;
	v6 =	vsel vm7, $0x3, v2;
	v15 =	vadd.f32 v8, v24  }
0xdf: {  	v7 =	vsel vm3, $0x0, v3;
	vm3 =	vmor vm12, vm14;
	v6 =	vsel vm6, $0x2, v6  }
0xe0: {  	v12 =	vmul.f32 $1.442695020e+00, v12;
	v6 =	vnsel vm14, $0x1, v6;
	(erf) = vrcp.f32 v15  }
0xe1: {  	v10 =	vsel vm3, $0x0, v3;
	v9 =	vsel vm12, $0x0, v6;
	v6 =	vsel vm5, $0x3F800000, v0  }
0xe2: {  	vm3 =	veq.s32 v9, $0x0;
	v6 =	vadd.f32 v10, v6;
	vm15 =	veq.s32 v9, $0x3  }
0xe3: {  	v10 =	vsel vm3, $0x3F800000, v0;
	vm3 =	veq.s32 v9, $0x2;
	v16 =	vsel vm15, $0x3F800000, v0  }
0xe4: {  	v9 =	vor.u32 v22, v9;
	v10 =	vadd.f32 v10, v7;
	v25 =	vsel vm2, $0x0, v6  }
0xe5: {  	p0 =	sne.s32 s4, $0x1F0;
	v7 =	vsel vm4, $0x3F800000, v0;
	v19 =	vnsel vm1, $0x0, v6;
	v8 =	vsel vm3, $0x3F800000, v0  }
.Ltmp0:
0xe6: {  	v8 =	vadd.f32 v8, v7;
	v27 =	vsel vm2, $0x0, v10;
	v7 =	vadd.f32 v16, v13;
	(pc) =	sbr.rel @p0 .LBB2_2-.Ltmp0, $4  }
0xe7: {  	v21 =	vnsel vm1, $0x0, v10;
	v16 =	vnsel vm0, $0x0, v6;
	v15 =	vnsel vm0, $0x0, v10  }
0xe8: {  	v26 =	vsel vm2, $0x0, v8;
	v18 =	vnsel vm1, $0x0, v8;
	v23 =	vsel vm2, $0x0, v7  }
0xe9: {  	v17 =	vnsel vm1, $0x0, v7;
	v13 =	vnsel vm0, $0x0, v8;
	(erf) = vpow2.f32 v12;
	v28 =	vpop (erf)  }
0xea: {  	s4 =	sadd.s32 $0x10, s4;
	s8 =	simm.s32 $0x6000;
	v11 =	vnsel vm0, $0x0, v7;
	v14 =	vmul.f32 v28, v14;
	v12 =	vmul.f32 v28, v29  }
0xeb: {  	_ = 	snop  }
0xec: {  	v22 =	vsel vm2, $0x0, v14  }
0xed: {  	[tilespmem:s30+$0x3000] =	vst v22  }
0xee: {  	[tilespmem:s8+$0x0] =	vst.add.f32.msk $0xffff, v22  }
0xef: {  	v49 =	vsel vm2, $0x0, v12;
	[tilespmem:s10+$0x0] =	vst.add.f32.msk $0xffff, v27  }
0xf0: {  	s2 =	rddreg [dreg:$0x3];
	v20 =	vmul.f32 v28, v20;
	[tilespmem:s30+$0x3080] =	vst v49  }
0xf1: {  	s4 =	rddreg [dreg:$0x4];
	[tilespmem:s2+$0x0] =	vst.add.f32.msk $0xffff, v49  }
0xf2: {  	v50 =	vsel vm2, $0x0, v20;
	[tilespmem:s4+$0x0] =	vst.add.f32.msk $0xffff, v25  }
0xf3: {  	s5 =	rddreg [dreg:$0x5];
	v24 =	vmul.f32 v28, v24;
	[tilespmem:s30+$0x3100] =	vst v50  }
0xf4: {  	s6 =	rddreg [dreg:$0x6];
	[tilespmem:s5+$0x0] =	vst.add.f32.msk $0xffff, v50  }
0xf5: {  	v51 =	vsel vm2, $0x0, v24;
	[tilespmem:s6+$0x0] =	vst.add.f32.msk $0xffff, v26  }
0xf6: {  	s7 =	rddreg [dreg:$0x7];
	[tilespmem:s28+$0x3000] =	vst v51  }
0xf7: {  	s9 =	rddreg [dreg:$0x8];
	[tilespmem:s7+$0x0] =	vst.add.f32.msk $0xffff, v51  }
0xf8: {  	v52 =	vnsel vm1, $0x0, v14;
	[tilespmem:s9+$0x0] =	vst.add.f32.msk $0xffff, v23  }
0xf9: {  	s29 =	rddreg [dreg:$0x9];
	[tilespmem:s30+$0x3200] =	vst v52  }
0xfa: {  	s5 =	rddreg [dreg:$0xa];
	[tilespmem:s29+$0x0] =	vst.add.f32.msk $0xffff, v52  }
0xfb: {  	v53 =	vnsel vm1, $0x0, v12;
	[tilespmem:s5+$0x0] =	vst.add.f32.msk $0xffff, v21  }
0xfc: {  	s6 =	rddreg [dreg:$0xb];
	[tilespmem:s30+$0x3280] =	vst v53  }
0xfd: {  	s7 =	rddreg [dreg:$0xc];
	[tilespmem:s6+$0x0] =	vst.add.f32.msk $0xffff, v53  }
0xfe: {  	v54 =	vnsel vm1, $0x0, v20;
	[tilespmem:s7+$0x0] =	vst.add.f32.msk $0xffff, v19  }
0xff: {  	s9 =	rddreg [dreg:$0xd];
	[tilespmem:s30+$0x3300] =	vst v54  }
0x100: {  	s28 =	rddreg [dreg:$0xe];
	[tilespmem:s9+$0x0] =	vst.add.f32.msk $0xffff, v54  }
0x101: {  	v55 =	vnsel vm1, $0x0, v24;
	[tilespmem:s28+$0x0] =	vst.add.f32.msk $0xffff, v18  }
0x102: {  	s29 =	rddreg [dreg:$0xf];
	[tilespmem:s3+$0x3000] =	vst v55  }
0x103: {  	s5 =	rddreg [dreg:$0x10];
	[tilespmem:s29+$0x0] =	vst.add.f32.msk $0xffff, v55  }
0x104: {  	v56 =	vnsel vm0, $0x0, v14;
	[tilespmem:s5+$0x0] =	vst.add.f32.msk $0xffff, v17  }
0x105: {  	[tilespmem:s30+$0x4000] =	vst v56  }
0x106: {  	[tilespmem:s11+$0x0] =	vst.add.f32.msk $0xffff, v56  }
0x107: {  	v57 =	vnsel vm0, $0x0, v12;
	[tilespmem:s12+$0x0] =	vst.add.f32.msk $0xffff, v15  }
0x108: {  	[tilespmem:s30+$0x4080] =	vst v57  }
0x109: {  	[tilespmem:s13+$0x0] =	vst.add.f32.msk $0xffff, v57  }
0x10a: {  	v58 =	vnsel vm0, $0x0, v20;
	[tilespmem:s14+$0x0] =	vst.add.f32.msk $0xffff, v16  }
0x10b: {  	[tilespmem:s30+$0x4100] =	vst v58  }
0x10c: {  	[tilespmem:s15+$0x0] =	vst.add.f32.msk $0xffff, v58  }
0x10d: {  	v59 =	vnsel vm0, $0x0, v24;
	[tilespmem:s16+$0x0] =	vst.add.f32.msk $0xffff, v13  }
0x10e: {  	[tilespmem:s1+$0x3000] =	vst v59  }
0x10f: {  	vm15 =	veq.s32 v4, $0x3;
	v60 =	vpop (erf);
	[tilespmem:s17+$0x0] =	vst.add.f32.msk $0xffff, v59  }
0x110: {  	v61 =	vnsel vm15, $0x0, v14;
	v4 =	vadd.f32 $1.000000000e+00, v60;
	[tilespmem:s18+$0x0] =	vst.add.f32.msk $0xffff, v11  }
0x111: {  	[tilespmem:s30+$0x4200] =	vst v61  }
0x112: {  	v10 =	vnsel vm15, $0x0, v10;
	(erf) = vrcp.f32 v4;
	[tilespmem:s19+$0x0] =	vst.add.f32.msk $0xffff, v61  }
0x113: {  	v4 =	vnsel vm15, $0x0, v12;
	[tilespmem:s20+$0x0] =	vst.add.f32.msk $0xffff, v10  }
0x114: {  	[tilespmem:s30+$0x4280] =	vst v4  }
0x115: {  	[tilespmem:s21+$0x0] =	vst.add.f32.msk $0xffff, v4;
	v4 =	vnsel vm15, $0x0, v6  }
0x116: {  	[tilespmem:s22+$0x0] =	vst.add.f32.msk $0xffff, v4;
	v4 =	vnsel vm15, $0x0, v20  }
0x117: {  	[tilespmem:s30+$0x4300] =	vst v4  }
0x118: {  	[tilespmem:s23+$0x0] =	vst.add.f32.msk $0xffff, v4;
	v4 =	vnsel vm15, $0x0, v8  }
0x119: {  	[tilespmem:s24+$0x0] =	vst.add.f32.msk $0xffff, v4;
	v4 =	vnsel vm15, $0x0, v24  }
0x11a: {  	[tilespmem:s0+$0x3000] =	vst v4  }
0x11b: {  	v62 =	vpop (erf);
	[tilespmem:s25+$0x0] =	vst.add.f32.msk $0xffff, v4;
	v4 =	vnsel vm15, $0x0, v7  }
0x11c: {  	v63 =	vmul.f32 v62, v60;
	[tilespmem:s26+$0x0] =	vst.add.f32.msk $0xffff, v4  }
0x11d: {  	v4 =	vcvt.s32.f32 v5;
	[tilespmem:s30+$0x5000] =	vst v62  }
0x11e: {  	v5 =	vcvt.s32.f32 v9;
	[tilespmem:s30+$0x5080] =	vst v63  }
0x11f: {  	s6 =	rddreg [dreg:$0x12];
	[tilespmem:s30+$0x5100] =	vst v4  }
0x120: {  	s7 =	simm.s32 $0x0;
	s9 =	simm.s32 $0x3000;
	s1 =	simm.s32 $0x1;
	[tilespmem:s31+$0x3000] =	vst v5  }
0x121: {  	[hbm4b:s6+s7] =	stream.linear.scatter [tilespmem:s9], [sflag:$0x1], $0x3000, $0x38;
	[tilespmem:$0x7000] =	vst v63  }
0x122: {  	_ =	swait.ge [sflag:s1], $0x3000  }
0x123: {  	[sflag:s1] =	ssyncset.done $0x0  }
0x124: {  	s28 =	rddreg [dreg:$0x13];
	[sflag:s1] =	ssyncadd.s32 $0xFFFFD000  }
0x125: {  	[hbm4b:s28+s7] =	stream.linear.scatter [tilespmem:s8], [sflag:$0x1], $0x800, $0x38;
	[tilespmem:$0x7000] =	vst v63  }
0x126: {  	_ =	swait.ge [sflag:s1], $0x800  }
0x127: {  	[sflag:s1] =	ssyncset.done $0x0  }
0x128: {  	s29 =	rddreg [dreg:$0x14];
	[sflag:s1] =	ssyncadd.s32 $0xFFFFF800  }
0x129: {  	[hbm4b:s29+s7] =	stream.linear.scatter [tilespmem:s10], [sflag:$0x1], $0x800, $0x38;
	[tilespmem:$0x7000] =	vst v63  }
0x12a: {  	_ =	swait.ge [sflag:s1], $0x800  }
0x12b: {  	s30 =	rddreg [dreg:$0x16]  }
0x12c: {  	s31 =	rddreg [dreg:$0x15];
	s2 =	sadd.s32 $0x1, s30  }
0x12d: {  	p0 =	sne.s32 s2, s31  }
.Ltmp1:
0x12e: {  	_ = 	snop;
	(pc) =	sbr.rel @p0 .LBB2_1-.Ltmp1, $3  }
0x12f: {  	_ =	sdelay $0x1  }
0x130: {  	[sflag:s1] =	ssyncset.done $0x0  }
0x131: {  	[sflag:s1] =	ssyncadd.s32 $0xFFFFF800  }
0x132: {  	_ =	sfence.sel $0x180000  }
0x133: {  	[bflag:$0x0] =	sbarrier.arrive $0xFFFF  }
0x134: {  	_ =	strace $0x90000047  }
0x135: {  	s0 =	stileid.u32;
	[bflag:$0x2] =	sbarrier.arrive $0xFFFF  }
0x136: {  	p0 =	sne.s32 s0, $0x0;
	s0 =	rddreg [dreg:$0x2]  }
0x137: {  	s0 =	sadd.s32 @!p0 $0x100000, s0  }
0x138: {  	[sflag:s0] =	ssyncadd.tile.s32 @!p0 $0x1;
	_ =	shalt  }
.Lfunc_end2:
_tile_overlayer_lowered:
.L_overlay_start_2:
0x139: {  	(tag) =	ssettag $0x2  }
0x13a: {  	s0 =	rddreg [dreg:$0x0];
	s2 =	stileid.u32  }
0x13b: {  	s1 =	rddreg [dreg:$0x1];
	p0 =	sne.s32 s2, $0x0  }
0x13c: {  	s3 =	rddreg [dreg:$0x2];
	[bflag:$0x3] =	sbarrier.arrive $0xFFFF;
	s2 =	simm.s32 @!p0 $0x1C01  }
0x13d: {  	[timem:s3], [sflag:s2] =	dma.local @!p0 [hbm:s0], s1  }
0x13e: {  	s0 =	simm.s32 @!p0 $0x1  }
0x13f: {  	_ =	swait.ge @!p0 [sflag:s0], s1  }
0x140: {  	s1 =	ssub.s32 @!p0 $0x0, s1;
	[sflag:s0] =	ssyncset.done @!p0 $0x0  }
0x141: {  	[sflag:s0] =	ssyncadd.s32 @!p0 s1  }
0x142: {  	[bflag:$0x3] =	sbarrier.arrive $0xFFFF  }
0x143: {  	_ =	shalt  }

</sc_bundles>
